<compile_context>
chip_gen: v7x
topology: tpu7x:2x2x1
jax: 0.10.2.dev20260603
libtpu: 0.0.44.dev20260713+nightly
codegen_flags: <defaults>
</compile_context>

<pallas_src>
import functools

import jax
import jax.numpy as jnp
from jax import lax
from jax.experimental import pallas as pl
from jax.experimental.pallas import tpu as pltpu
from jax.experimental.pallas import tpu_sc as plsc

N = 10000
NPAD = 10240
E = 320000
D = 128
NC = 2
NS = 16
NW = NC * NS
EPW = E // NW
CHUNK = 80
NCHUNK = EPW // CHUNK
RPT = NPAD // NS
DCHUNK = 80
DNCHUNK = EPW // DCHUNK
DFIRE = 25

_mesh = plsc.VectorSubcoreMesh(core_axis_name="c", subcore_axis_name="s")


@functools.partial(
    pl.kernel,
    out_type=jax.ShapeDtypeStruct((NC, NPAD), jnp.float32),
    mesh=_mesh,
    scratch_types=[
        pltpu.VMEM((DNCHUNK, DCHUNK), jnp.int32),
        pltpu.VMEM((DCHUNK,), jnp.float32),
        pltpu.VMEM((RPT,), jnp.float32),
        pltpu.VMEM_SHARED((NPAD,), jnp.float32),
        pltpu.SemaphoreType.DMA,
    ],
)
def _deg_kernel(dst2_hbm, out_hbm, didx, ones_v, zeros_v, acc_s, sem):
    c = lax.axis_index("c")
    s = lax.axis_index("s")
    w = c * NS + s

    for k in range(DCHUNK // 16):
        ones_v[pl.ds(k * 16, 16)] = jnp.ones((16,), jnp.float32)

    def zbody(i, carry):
        zeros_v[pl.ds(i * 16, 16)] = jnp.zeros((16,), jnp.float32)
        return carry

    lax.fori_loop(0, RPT // 16, zbody, 0)
    pltpu.sync_copy(zeros_v, acc_s.at[pl.ds(s * RPT, RPT)])
    pltpu.sync_copy(dst2_hbm.at[w], didx)
    plsc.subcore_barrier()

    def rnd(r, carry):
        def fire(i, carry):
            pltpu.async_copy(ones_v, acc_s.at[didx.at[r * DFIRE + i]], sem, add=True)
            return carry

        lax.fori_loop(0, DFIRE, fire, 0)

        def drain(i, carry):
            pltpu.make_async_copy(ones_v, acc_s.at[didx.at[0]], sem).wait()
            return carry

        lax.fori_loop(0, DFIRE, drain, 0)
        return carry

    lax.fori_loop(0, DNCHUNK // DFIRE, rnd, 0)
    plsc.subcore_barrier()
    pltpu.sync_copy(acc_s.at[pl.ds(s * RPT, RPT)], out_hbm.at[c, pl.ds(s * RPT, RPT)])


@functools.partial(
    pl.kernel,
    out_type=jax.ShapeDtypeStruct((NC, NPAD, D), jnp.float32),
    mesh=_mesh,
    scratch_types=[
        pltpu.VMEM((CHUNK,), jnp.int32),
        pltpu.VMEM((CHUNK,), jnp.int32),
        pltpu.VMEM((CHUNK, D), jnp.float32),
        pltpu.VMEM_SHARED((NPAD, D), jnp.float32),
        pltpu.SemaphoreType.DMA,
    ],
)
def _segsum_kernel(src_hbm, dst_hbm, y_hbm, out_hbm, sidx_v, didx_v, rows_v, acc_s, sem):
    c = lax.axis_index("c")
    s = lax.axis_index("s")
    w = c * NS + s

    def zbody(i, carry):
        for j in range(D // 16):
            rows_v[i, pl.ds(j * 16, 16)] = jnp.zeros((16,), jnp.float32)
        return carry

    lax.fori_loop(0, CHUNK, zbody, 0)
    for k in range(RPT // CHUNK):
        pltpu.sync_copy(rows_v, acc_s.at[pl.ds(s * RPT + k * CHUNK, CHUNK)])
    plsc.subcore_barrier()

    def body(i, carry):
        base = w * EPW + i * CHUNK
        pltpu.sync_copy(src_hbm.at[pl.ds(base, CHUNK)], sidx_v)
        pltpu.sync_copy(dst_hbm.at[pl.ds(base, CHUNK)], didx_v)
        pltpu.async_copy(y_hbm.at[sidx_v], rows_v, sem).wait()
        pltpu.sync_copy(rows_v, acc_s.at[didx_v], add=True)
        return carry

    lax.fori_loop(0, NCHUNK, body, 0)
    plsc.subcore_barrier()
    pltpu.sync_copy(acc_s.at[pl.ds(s * RPT, RPT)], out_hbm.at[c, pl.ds(s * RPT, RPT)])


BN = 1000
_PREC = lax.Precision.HIGHEST


def _dis_of(dp_ref):
    deg = dp_ref[0] + dp_ref[1] + 1.0
    return lax.rsqrt(deg)


def _xw_body(dp_ref, x_ref, w_ref, o_ref):
    dis = _dis_of(dp_ref)
    xw = jnp.dot(x_ref[...], w_ref[...], preferred_element_type=jnp.float32,
                 precision=_PREC)
    o_ref[...] = xw * dis


_xw_kernel = pl.pallas_call(
    _xw_body,
    grid=(N // BN,),
    in_specs=[
        pl.BlockSpec((NC, BN, 1), lambda i: (0, i, 0)),
        pl.BlockSpec((BN, D), lambda i: (i, 0)),
        pl.BlockSpec((D, D), lambda i: (0, 0)),
    ],
    out_specs=pl.BlockSpec((BN, D), lambda i: (i, 0)),
    out_shape=jax.ShapeDtypeStruct((N, D), jnp.float32),
)


def _mid_body(dp_ref, z_ref, y_ref, b_ref, w_ref, o_ref):
    dis = _dis_of(dp_ref)
    t = (z_ref[0] + z_ref[1] + y_ref[...]) * dis + b_ref[...]
    h = jnp.maximum(t, 0.0)
    o_ref[...] = jnp.dot(h, w_ref[...], preferred_element_type=jnp.float32,
                         precision=_PREC) * dis


_mid_kernel = pl.pallas_call(
    _mid_body,
    grid=(N // BN,),
    in_specs=[
        pl.BlockSpec((NC, BN, 1), lambda i: (0, i, 0)),
        pl.BlockSpec((NC, BN, D), lambda i: (0, i, 0)),
        pl.BlockSpec((BN, D), lambda i: (i, 0)),
        pl.BlockSpec((1, D), lambda i: (0, 0)),
        pl.BlockSpec((D, D), lambda i: (0, 0)),
    ],
    out_specs=pl.BlockSpec((BN, D), lambda i: (i, 0)),
    out_shape=jax.ShapeDtypeStruct((N, D), jnp.float32),
)


def _fin_body(dp_ref, z_ref, y_ref, b_ref, o_ref):
    dis = _dis_of(dp_ref)
    o_ref[...] = (z_ref[0] + z_ref[1] + y_ref[...]) * dis + b_ref[...]


_fin_kernel = pl.pallas_call(
    _fin_body,
    grid=(N // BN,),
    in_specs=[
        pl.BlockSpec((NC, BN, 1), lambda i: (0, i, 0)),
        pl.BlockSpec((NC, BN, D), lambda i: (0, i, 0)),
        pl.BlockSpec((BN, D), lambda i: (i, 0)),
        pl.BlockSpec((1, D), lambda i: (0, 0)),
    ],
    out_specs=pl.BlockSpec((BN, D), lambda i: (i, 0)),
    out_shape=jax.ShapeDtypeStruct((N, D), jnp.float32),
)


def kernel(x, edge_index, W1, b1, W2, b2):
    ei = edge_index.astype(jnp.int32)
    src = ei[0]
    dst = ei[1]
    b1r = b1.reshape(1, D)
    b2r = b2.reshape(1, D)

    deg_parts = _deg_kernel(dst.reshape(NW, DNCHUNK, DCHUNK))
    dp = deg_parts[:, :N].reshape(NC, N, 1)

    y1 = _xw_kernel(dp, x, W1)
    z1 = _segsum_kernel(src, dst, y1)[:, :N, :]
    y2 = _mid_kernel(dp, z1, y1, b1r, W2)
    z2 = _segsum_kernel(src, dst, y2)[:, :N, :]
    return _fin_kernel(dp, z2, y2, b2r)

# --- scband reference (transcript-rebuilt; emitter-appended) ---
"""Pipeline reference for scband-gcnfeature-extractor-85684597555829 (READ-ONLY COPY).

The authoritative reference and input builder live on the scoring server;
editing this copy changes nothing except your own understanding.
"""

import jax, jax.numpy as jnp
import numpy as np

N_NODES = 10000
N_EDGES = 320000
D_IN = 128
D_HID = 128


def setup_inputs(seed: int = 0) -> dict:
    key = jax.random.key(seed)
    k_x, k_e, k_w1, k_b1, k_w2, k_b2 = jax.random.split(key, 6)
    x = jax.random.normal(k_x, (N_NODES, D_IN), dtype=jnp.float32)
    edge_index = jax.random.randint(k_e, (2, N_EDGES), 0, N_NODES, dtype=jnp.int64)
    s1 = (1.0 / np.sqrt(D_IN)).astype(np.float32) if isinstance(np.sqrt(D_IN), np.ndarray) else np.float32(1.0 / np.sqrt(D_IN))
    s2 = np.float32(1.0 / np.sqrt(D_HID))
    W1 = jax.random.uniform(k_w1, (D_IN, D_HID), dtype=jnp.float32, minval=-s1, maxval=s1)
    b1 = jnp.zeros((D_HID,), dtype=jnp.float32)
    W2 = jax.random.uniform(k_w2, (D_HID, D_HID), dtype=jnp.float32, minval=-s2, maxval=s2)
    b2 = jnp.zeros((D_HID,), dtype=jnp.float32)
    return {"x": x, "edge_index": edge_index, "W1": W1, "b1": b1, "W2": W2, "b2": b2}


def _gcn_conv(x, edge_index, W, b, num_nodes):
    # GCNConv: x' = D^{-1/2} (A + I) D^{-1/2} (X W) + b
    src = edge_index[0]
    dst = edge_index[1]
    self_loops = jnp.arange(num_nodes, dtype=edge_index.dtype)
    src = jnp.concatenate([src, self_loops])
    dst = jnp.concatenate([dst, self_loops])
    deg = jax.ops.segment_sum(jnp.ones_like(dst, dtype=x.dtype), dst, num_segments=num_nodes)
    deg_inv_sqrt = jnp.where(deg > 0, deg ** -0.5, 0.0)
    norm = deg_inv_sqrt[src] * deg_inv_sqrt[dst]
    xw = x @ W
    msgs = xw[src] * norm[:, None]
    out = jax.ops.segment_sum(msgs, dst, num_segments=num_nodes)
    return out + b


def reference(x, edge_index, W1, b1, W2, b2):
    h = _gcn_conv(x, edge_index, W1, b1, N_NODES)
    h = jax.nn.relu(h)
    out = _gcn_conv(h, edge_index, W2, b2, N_NODES)
    return out

if __name__ == "__main__":
    import jax
    _d = setup_inputs()
    print(jax.jit(kernel)(*tuple(_d.values())))

</pallas_src>

<mosaic_0001>
#map = affine_map<(d0, d1) -> (0)>
#map1 = affine_map<(d0, d1) -> (0, 0)>
#map2 = affine_map<(d0, d1) -> (0, 0, 0)>
module attributes {stable_mosaic.version = 14 : i64} {
  func.func @_segsum_kernel(%arg0: i32, %arg1: i32, %arg2: memref<320000xi32, #tpu.memory_space<hbm>>, %arg3: memref<320000xi32, #tpu.memory_space<hbm>>, %arg4: memref<10000x128xf32, #tpu.memory_space<hbm>>, %arg5: memref<2x10240x128xf32, #tpu.memory_space<hbm>>, %arg6: memref<80xi32, #tpu.memory_space<vmem>>, %arg7: memref<80xi32, #tpu.memory_space<vmem>>, %arg8: memref<80x128xf32, #tpu.memory_space<vmem>>, %arg9: memref<10240x128xf32, #tpu.memory_space<vmem_shared>>, %arg10: memref<!tpu.dma_semaphore, #tpu.memory_space<semaphore_mem>>) attributes {dimension_semantics = [#tpu.dimension_semantics<core_parallel>, #tpu.dimension_semantics<subcore_parallel>], iteration_bounds = array<i64: 2, 16>, scalar_prefetch = 0 : i64, scratch_operands = 5 : i64, tpu.core_type = #tpu.core_type<sc_vector_subcore>, window_params = [{transform_indices = #map}, {transform_indices = #map}, {transform_indices = #map1}, {transform_indices = #map2}]} {
    %mul3A = arith.constant 16 : i32
    %mul3A_0 = arith.muli %arg0, %mul3A : i32
    %add3A = arith.addi %mul3A_0, %arg1 : i32
    %scan3A = arith.constant 0 : i32
    %scan3A_1 = arith.constant 0 : i32
    %scan3A_2 = arith.constant 80 : i32
    %scan3A_3 = arith.addi %scan3A_1, %scan3A_2 : i32
    %scan3A_4 = arith.constant 1 : i32
    scf.for %scan3A_49 = %scan3A_1 to %scan3A_3 step %scan3A_4  : i32 {
      %broadcast_in_dim3A = arith.constant 0.000000e+00 : f32
      %broadcast_in_dim3A_50 = vector.broadcast %broadcast_in_dim3A : f32 to vector<16xf32>
      %swap3A = arith.index_cast %scan3A_49 : i32 to index
      %swap3A_51 = arith.constant 0 : index
      %swap3A_52 = tpu.vector_load %arg8[%swap3A, %swap3A_51] {strides = array<i32>} : memref<80x128xf32, #tpu.memory_space<vmem>>, vector<1x16xf32>,
      %swap3A_53 = vector.shape_cast %swap3A_52 : vector<1x16xf32> to vector<16xf32>
      %swap3A_54 = vector.shape_cast %broadcast_in_dim3A_50 : vector<16xf32> to vector<1x16xf32>
      tpu.vector_store %arg8[%swap3A, %swap3A_51], %swap3A_54 {strides = array<i32>} : memref<80x128xf32, #tpu.memory_space<vmem>>, vector<1x16xf32>,
      %broadcast_in_dim3A_55 = arith.constant 0.000000e+00 : f32
      %broadcast_in_dim3A_56 = vector.broadcast %broadcast_in_dim3A_55 : f32 to vector<16xf32>
      %swap3A_57 = arith.index_cast %scan3A_49 : i32 to index
      %swap3A_58 = arith.constant 16 : index
      %swap3A_59 = tpu.vector_load %arg8[%swap3A_57, %swap3A_58] {strides = array<i32>} : memref<80x128xf32, #tpu.memory_space<vmem>>, vector<1x16xf32>,
      %swap3A_60 = vector.shape_cast %swap3A_59 : vector<1x16xf32> to vector<16xf32>
      %swap3A_61 = vector.shape_cast %broadcast_in_dim3A_56 : vector<16xf32> to vector<1x16xf32>
      tpu.vector_store %arg8[%swap3A_57, %swap3A_58], %swap3A_61 {strides = array<i32>} : memref<80x128xf32, #tpu.memory_space<vmem>>, vector<1x16xf32>,
      %broadcast_in_dim3A_62 = arith.constant 0.000000e+00 : f32
      %broadcast_in_dim3A_63 = vector.broadcast %broadcast_in_dim3A_62 : f32 to vector<16xf32>
      %swap3A_64 = arith.index_cast %scan3A_49 : i32 to index
      %swap3A_65 = arith.constant 32 : index
      %swap3A_66 = tpu.vector_load %arg8[%swap3A_64, %swap3A_65] {strides = array<i32>} : memref<80x128xf32, #tpu.memory_space<vmem>>, vector<1x16xf32>,
      %swap3A_67 = vector.shape_cast %swap3A_66 : vector<1x16xf32> to vector<16xf32>
      %swap3A_68 = vector.shape_cast %broadcast_in_dim3A_63 : vector<16xf32> to vector<1x16xf32>
      tpu.vector_store %arg8[%swap3A_64, %swap3A_65], %swap3A_68 {strides = array<i32>} : memref<80x128xf32, #tpu.memory_space<vmem>>, vector<1x16xf32>,
      %broadcast_in_dim3A_69 = arith.constant 0.000000e+00 : f32
      %broadcast_in_dim3A_70 = vector.broadcast %broadcast_in_dim3A_69 : f32 to vector<16xf32>
      %swap3A_71 = arith.index_cast %scan3A_49 : i32 to index
      %swap3A_72 = arith.constant 48 : index
      %swap3A_73 = tpu.vector_load %arg8[%swap3A_71, %swap3A_72] {strides = array<i32>} : memref<80x128xf32, #tpu.memory_space<vmem>>, vector<1x16xf32>,
      %swap3A_74 = vector.shape_cast %swap3A_73 : vector<1x16xf32> to vector<16xf32>
      %swap3A_75 = vector.shape_cast %broadcast_in_dim3A_70 : vector<16xf32> to vector<1x16xf32>
      tpu.vector_store %arg8[%swap3A_71, %swap3A_72], %swap3A_75 {strides = array<i32>} : memref<80x128xf32, #tpu.memory_space<vmem>>, vector<1x16xf32>,
      %broadcast_in_dim3A_76 = arith.constant 0.000000e+00 : f32
      %broadcast_in_dim3A_77 = vector.broadcast %broadcast_in_dim3A_76 : f32 to vector<16xf32>
      %swap3A_78 = arith.index_cast %scan3A_49 : i32 to index
      %swap3A_79 = arith.constant 64 : index
      %swap3A_80 = tpu.vector_load %arg8[%swap3A_78, %swap3A_79] {strides = array<i32>} : memref<80x128xf32, #tpu.memory_space<vmem>>, vector<1x16xf32>,
      %swap3A_81 = vector.shape_cast %swap3A_80 : vector<1x16xf32> to vector<16xf32>
      %swap3A_82 = vector.shape_cast %broadcast_in_dim3A_77 : vector<16xf32> to vector<1x16xf32>
      tpu.vector_store %arg8[%swap3A_78, %swap3A_79], %swap3A_82 {strides = array<i32>} : memref<80x128xf32, #tpu.memory_space<vmem>>, vector<1x16xf32>,
      %broadcast_in_dim3A_83 = arith.constant 0.000000e+00 : f32
      %broadcast_in_dim3A_84 = vector.broadcast %broadcast_in_dim3A_83 : f32 to vector<16xf32>
      %swap3A_85 = arith.index_cast %scan3A_49 : i32 to index
      %swap3A_86 = arith.constant 80 : index
      %swap3A_87 = tpu.vector_load %arg8[%swap3A_85, %swap3A_86] {strides = array<i32>} : memref<80x128xf32, #tpu.memory_space<vmem>>, vector<1x16xf32>,
      %swap3A_88 = vector.shape_cast %swap3A_87 : vector<1x16xf32> to vector<16xf32>
      %swap3A_89 = vector.shape_cast %broadcast_in_dim3A_84 : vector<16xf32> to vector<1x16xf32>
      tpu.vector_store %arg8[%swap3A_85, %swap3A_86], %swap3A_89 {strides = array<i32>} : memref<80x128xf32, #tpu.memory_space<vmem>>, vector<1x16xf32>,
      %broadcast_in_dim3A_90 = arith.constant 0.000000e+00 : f32
      %broadcast_in_dim3A_91 = vector.broadcast %broadcast_in_dim3A_90 : f32 to vector<16xf32>
      %swap3A_92 = arith.index_cast %scan3A_49 : i32 to index
      %swap3A_93 = arith.constant 96 : index
      %swap3A_94 = tpu.vector_load %arg8[%swap3A_92, %swap3A_93] {strides = array<i32>} : memref<80x128xf32, #tpu.memory_space<vmem>>, vector<1x16xf32>,
      %swap3A_95 = vector.shape_cast %swap3A_94 : vector<1x16xf32> to vector<16xf32>
      %swap3A_96 = vector.shape_cast %broadcast_in_dim3A_91 : vector<16xf32> to vector<1x16xf32>
      tpu.vector_store %arg8[%swap3A_92, %swap3A_93], %swap3A_96 {strides = array<i32>} : memref<80x128xf32, #tpu.memory_space<vmem>>, vector<1x16xf32>,
      %broadcast_in_dim3A_97 = arith.constant 0.000000e+00 : f32
      %broadcast_in_dim3A_98 = vector.broadcast %broadcast_in_dim3A_97 : f32 to vector<16xf32>
      %swap3A_99 = arith.index_cast %scan3A_49 : i32 to index
      %swap3A_100 = arith.constant 112 : index
      %swap3A_101 = tpu.vector_load %arg8[%swap3A_99, %swap3A_100] {strides = array<i32>} : memref<80x128xf32, #tpu.memory_space<vmem>>, vector<1x16xf32>,
      %swap3A_102 = vector.shape_cast %swap3A_101 : vector<1x16xf32> to vector<16xf32>
      %swap3A_103 = vector.shape_cast %broadcast_in_dim3A_98 : vector<16xf32> to vector<1x16xf32>
      tpu.vector_store %arg8[%swap3A_99, %swap3A_100], %swap3A_103 {strides = array<i32>} : memref<80x128xf32, #tpu.memory_space<vmem>>, vector<1x16xf32>,
    }
    %scan3A_5 = arith.constant 80 : i32
    %mul3A_6 = arith.constant 640 : i32
    %mul3A_7 = arith.muli %arg1, %mul3A_6 : i32
    %add3A_8 = arith.constant 0 : i32
    %add3A_9 = arith.addi %mul3A_7, %add3A_8 : i32
    "tpu.region"() ({
      %run_scoped3A = tpu.sem_alloc : memref<!tpu.dma_semaphore, #tpu.memory_space<semaphore_mem>>
      %dma_start3A = arith.constant 0 : i32
      %dma_start3A_49 = tpu.memref_slice %arg9[%add3A_9, %dma_start3A] : memref<10240x128xf32, #tpu.memory_space<vmem_shared>> -> memref<80x128xf32, #tpu.memory_space<vmem_shared>>
      %dma_start3A_50 = arith.constant 0 : i32
      %dma_start3A_51 = tpu.memref_slice %arg9[%add3A_9, %dma_start3A_50] : memref<10240x128xf32, #tpu.memory_space<vmem_shared>> -> memref<80x128xf32, #tpu.memory_space<vmem_shared>>
      tpu.enqueue_dma source(%arg8 : memref<80x128xf32, #tpu.memory_space<vmem>>) target(%dma_start3A_51 : memref<80x128xf32, #tpu.memory_space<vmem_shared>>) target_semaphore(%run_scoped3A : memref<!tpu.dma_semaphore, #tpu.memory_space<semaphore_mem>>)
      %dma_wait3A = arith.constant 0 : i32
      %dma_wait3A_52 = tpu.memref_slice %arg9[%add3A_9, %dma_wait3A] : memref<10240x128xf32, #tpu.memory_space<vmem_shared>> -> memref<80x128xf32, #tpu.memory_space<vmem_shared>>
      %dma_wait3A_53 = arith.constant 0 : i32
      %dma_wait3A_54 = tpu.memref_slice %arg9[%add3A_9, %dma_wait3A_53] : memref<10240x128xf32, #tpu.memory_space<vmem_shared>> -> memref<80x128xf32, #tpu.memory_space<vmem_shared>>
      tpu.wait_dma2 semaphore(%run_scoped3A : memref<!tpu.dma_semaphore, #tpu.memory_space<semaphore_mem>>) src(%arg8 : memref<80x128xf32, #tpu.memory_space<vmem>>) dst(%dma_wait3A_54 : memref<80x128xf32, #tpu.memory_space<vmem_shared>>)
      tpu.yield
    }) : () -> ()
    %mul3A_10 = arith.constant 640 : i32
    %mul3A_11 = arith.muli %arg1, %mul3A_10 : i32
    %add3A_12 = arith.constant 80 : i32
    %add3A_13 = arith.addi %mul3A_11, %add3A_12 : i32
    "tpu.region"() ({
      %run_scoped3A = tpu.sem_alloc : memref<!tpu.dma_semaphore, #tpu.memory_space<semaphore_mem>>
      %dma_start3A = arith.constant 0 : i32
      %dma_start3A_49 = tpu.memref_slice %arg9[%add3A_13, %dma_start3A] : memref<10240x128xf32, #tpu.memory_space<vmem_shared>> -> memref<80x128xf32, #tpu.memory_space<vmem_shared>>
      %dma_start3A_50 = arith.constant 0 : i32
      %dma_start3A_51 = tpu.memref_slice %arg9[%add3A_13, %dma_start3A_50] : memref<10240x128xf32, #tpu.memory_space<vmem_shared>> -> memref<80x128xf32, #tpu.memory_space<vmem_shared>>
      tpu.enqueue_dma source(%arg8 : memref<80x128xf32, #tpu.memory_space<vmem>>) target(%dma_start3A_51 : memref<80x128xf32, #tpu.memory_space<vmem_shared>>) target_semaphore(%run_scoped3A : memref<!tpu.dma_semaphore, #tpu.memory_space<semaphore_mem>>)
      %dma_wait3A = arith.constant 0 : i32
      %dma_wait3A_52 = tpu.memref_slice %arg9[%add3A_13, %dma_wait3A] : memref<10240x128xf32, #tpu.memory_space<vmem_shared>> -> memref<80x128xf32, #tpu.memory_space<vmem_shared>>
      %dma_wait3A_53 = arith.constant 0 : i32
      %dma_wait3A_54 = tpu.memref_slice %arg9[%add3A_13, %dma_wait3A_53] : memref<10240x128xf32, #tpu.memory_space<vmem_shared>> -> memref<80x128xf32, #tpu.memory_space<vmem_shared>>
      tpu.wait_dma2 semaphore(%run_scoped3A : memref<!tpu.dma_semaphore, #tpu.memory_space<semaphore_mem>>) src(%arg8 : memref<80x128xf32, #tpu.memory_space<vmem>>) dst(%dma_wait3A_54 : memref<80x128xf32, #tpu.memory_space<vmem_shared>>)
      tpu.yield
    }) : () -> ()
    %mul3A_14 = arith.constant 640 : i32
    %mul3A_15 = arith.muli %arg1, %mul3A_14 : i32
    %add3A_16 = arith.constant 160 : i32
    %add3A_17 = arith.addi %mul3A_15, %add3A_16 : i32
    "tpu.region"() ({
      %run_scoped3A = tpu.sem_alloc : memref<!tpu.dma_semaphore, #tpu.memory_space<semaphore_mem>>
      %dma_start3A = arith.constant 0 : i32
      %dma_start3A_49 = tpu.memref_slice %arg9[%add3A_17, %dma_start3A] : memref<10240x128xf32, #tpu.memory_space<vmem_shared>> -> memref<80x128xf32, #tpu.memory_space<vmem_shared>>
      %dma_start3A_50 = arith.constant 0 : i32
      %dma_start3A_51 = tpu.memref_slice %arg9[%add3A_17, %dma_start3A_50] : memref<10240x128xf32, #tpu.memory_space<vmem_shared>> -> memref<80x128xf32, #tpu.memory_space<vmem_shared>>
      tpu.enqueue_dma source(%arg8 : memref<80x128xf32, #tpu.memory_space<vmem>>) target(%dma_start3A_51 : memref<80x128xf32, #tpu.memory_space<vmem_shared>>) target_semaphore(%run_scoped3A : memref<!tpu.dma_semaphore, #tpu.memory_space<semaphore_mem>>)
      %dma_wait3A = arith.constant 0 : i32
      %dma_wait3A_52 = tpu.memref_slice %arg9[%add3A_17, %dma_wait3A] : memref<10240x128xf32, #tpu.memory_space<vmem_shared>> -> memref<80x128xf32, #tpu.memory_space<vmem_shared>>
      %dma_wait3A_53 = arith.constant 0 : i32
      %dma_wait3A_54 = tpu.memref_slice %arg9[%add3A_17, %dma_wait3A_53] : memref<10240x128xf32, #tpu.memory_space<vmem_shared>> -> memref<80x128xf32, #tpu.memory_space<vmem_shared>>
      tpu.wait_dma2 semaphore(%run_scoped3A : memref<!tpu.dma_semaphore, #tpu.memory_space<semaphore_mem>>) src(%arg8 : memref<80x128xf32, #tpu.memory_space<vmem>>) dst(%dma_wait3A_54 : memref<80x128xf32, #tpu.memory_space<vmem_shared>>)
      tpu.yield
    }) : () -> ()
    %mul3A_18 = arith.constant 640 : i32
    %mul3A_19 = arith.muli %arg1, %mul3A_18 : i32
    %add3A_20 = arith.constant 240 : i32
    %add3A_21 = arith.addi %mul3A_19, %add3A_20 : i32
    "tpu.region"() ({
      %run_scoped3A = tpu.sem_alloc : memref<!tpu.dma_semaphore, #tpu.memory_space<semaphore_mem>>
      %dma_start3A = arith.constant 0 : i32
      %dma_start3A_49 = tpu.memref_slice %arg9[%add3A_21, %dma_start3A] : memref<10240x128xf32, #tpu.memory_space<vmem_shared>> -> memref<80x128xf32, #tpu.memory_space<vmem_shared>>
      %dma_start3A_50 = arith.constant 0 : i32
      %dma_start3A_51 = tpu.memref_slice %arg9[%add3A_21, %dma_start3A_50] : memref<10240x128xf32, #tpu.memory_space<vmem_shared>> -> memref<80x128xf32, #tpu.memory_space<vmem_shared>>
      tpu.enqueue_dma source(%arg8 : memref<80x128xf32, #tpu.memory_space<vmem>>) target(%dma_start3A_51 : memref<80x128xf32, #tpu.memory_space<vmem_shared>>) target_semaphore(%run_scoped3A : memref<!tpu.dma_semaphore, #tpu.memory_space<semaphore_mem>>)
      %dma_wait3A = arith.constant 0 : i32
      %dma_wait3A_52 = tpu.memref_slice %arg9[%add3A_21, %dma_wait3A] : memref<10240x128xf32, #tpu.memory_space<vmem_shared>> -> memref<80x128xf32, #tpu.memory_space<vmem_shared>>
      %dma_wait3A_53 = arith.constant 0 : i32
      %dma_wait3A_54 = tpu.memref_slice %arg9[%add3A_21, %dma_wait3A_53] : memref<10240x128xf32, #tpu.memory_space<vmem_shared>> -> memref<80x128xf32, #tpu.memory_space<vmem_shared>>
      tpu.wait_dma2 semaphore(%run_scoped3A : memref<!tpu.dma_semaphore, #tpu.memory_space<semaphore_mem>>) src(%arg8 : memref<80x128xf32, #tpu.memory_space<vmem>>) dst(%dma_wait3A_54 : memref<80x128xf32, #tpu.memory_space<vmem_shared>>)
      tpu.yield
    }) : () -> ()
    %mul3A_22 = arith.constant 640 : i32
    %mul3A_23 = arith.muli %arg1, %mul3A_22 : i32
    %add3A_24 = arith.constant 320 : i32
    %add3A_25 = arith.addi %mul3A_23, %add3A_24 : i32
    "tpu.region"() ({
      %run_scoped3A = tpu.sem_alloc : memref<!tpu.dma_semaphore, #tpu.memory_space<semaphore_mem>>
      %dma_start3A = arith.constant 0 : i32
      %dma_start3A_49 = tpu.memref_slice %arg9[%add3A_25, %dma_start3A] : memref<10240x128xf32, #tpu.memory_space<vmem_shared>> -> memref<80x128xf32, #tpu.memory_space<vmem_shared>>
      %dma_start3A_50 = arith.constant 0 : i32
      %dma_start3A_51 = tpu.memref_slice %arg9[%add3A_25, %dma_start3A_50] : memref<10240x128xf32, #tpu.memory_space<vmem_shared>> -> memref<80x128xf32, #tpu.memory_space<vmem_shared>>
      tpu.enqueue_dma source(%arg8 : memref<80x128xf32, #tpu.memory_space<vmem>>) target(%dma_start3A_51 : memref<80x128xf32, #tpu.memory_space<vmem_shared>>) target_semaphore(%run_scoped3A : memref<!tpu.dma_semaphore, #tpu.memory_space<semaphore_mem>>)
      %dma_wait3A = arith.constant 0 : i32
      %dma_wait3A_52 = tpu.memref_slice %arg9[%add3A_25, %dma_wait3A] : memref<10240x128xf32, #tpu.memory_space<vmem_shared>> -> memref<80x128xf32, #tpu.memory_space<vmem_shared>>
      %dma_wait3A_53 = arith.constant 0 : i32
      %dma_wait3A_54 = tpu.memref_slice %arg9[%add3A_25, %dma_wait3A_53] : memref<10240x128xf32, #tpu.memory_space<vmem_shared>> -> memref<80x128xf32, #tpu.memory_space<vmem_shared>>
      tpu.wait_dma2 semaphore(%run_scoped3A : memref<!tpu.dma_semaphore, #tpu.memory_space<semaphore_mem>>) src(%arg8 : memref<80x128xf32, #tpu.memory_space<vmem>>) dst(%dma_wait3A_54 : memref<80x128xf32, #tpu.memory_space<vmem_shared>>)
      tpu.yield
    }) : () -> ()
    %mul3A_26 = arith.constant 640 : i32
    %mul3A_27 = arith.muli %arg1, %mul3A_26 : i32
    %add3A_28 = arith.constant 400 : i32
    %add3A_29 = arith.addi %mul3A_27, %add3A_28 : i32
    "tpu.region"() ({
      %run_scoped3A = tpu.sem_alloc : memref<!tpu.dma_semaphore, #tpu.memory_space<semaphore_mem>>
      %dma_start3A = arith.constant 0 : i32
      %dma_start3A_49 = tpu.memref_slice %arg9[%add3A_29, %dma_start3A] : memref<10240x128xf32, #tpu.memory_space<vmem_shared>> -> memref<80x128xf32, #tpu.memory_space<vmem_shared>>
      %dma_start3A_50 = arith.constant 0 : i32
      %dma_start3A_51 = tpu.memref_slice %arg9[%add3A_29, %dma_start3A_50] : memref<10240x128xf32, #tpu.memory_space<vmem_shared>> -> memref<80x128xf32, #tpu.memory_space<vmem_shared>>
      tpu.enqueue_dma source(%arg8 : memref<80x128xf32, #tpu.memory_space<vmem>>) target(%dma_start3A_51 : memref<80x128xf32, #tpu.memory_space<vmem_shared>>) target_semaphore(%run_scoped3A : memref<!tpu.dma_semaphore, #tpu.memory_space<semaphore_mem>>)
      %dma_wait3A = arith.constant 0 : i32
      %dma_wait3A_52 = tpu.memref_slice %arg9[%add3A_29, %dma_wait3A] : memref<10240x128xf32, #tpu.memory_space<vmem_shared>> -> memref<80x128xf32, #tpu.memory_space<vmem_shared>>
      %dma_wait3A_53 = arith.constant 0 : i32
      %dma_wait3A_54 = tpu.memref_slice %arg9[%add3A_29, %dma_wait3A_53] : memref<10240x128xf32, #tpu.memory_space<vmem_shared>> -> memref<80x128xf32, #tpu.memory_space<vmem_shared>>
      tpu.wait_dma2 semaphore(%run_scoped3A : memref<!tpu.dma_semaphore, #tpu.memory_space<semaphore_mem>>) src(%arg8 : memref<80x128xf32, #tpu.memory_space<vmem>>) dst(%dma_wait3A_54 : memref<80x128xf32, #tpu.memory_space<vmem_shared>>)
      tpu.yield
    }) : () -> ()
    %mul3A_30 = arith.constant 640 : i32
    %mul3A_31 = arith.muli %arg1, %mul3A_30 : i32
    %add3A_32 = arith.constant 480 : i32
    %add3A_33 = arith.addi %mul3A_31, %add3A_32 : i32
    "tpu.region"() ({
      %run_scoped3A = tpu.sem_alloc : memref<!tpu.dma_semaphore, #tpu.memory_space<semaphore_mem>>
      %dma_start3A = arith.constant 0 : i32
      %dma_start3A_49 = tpu.memref_slice %arg9[%add3A_33, %dma_start3A] : memref<10240x128xf32, #tpu.memory_space<vmem_shared>> -> memref<80x128xf32, #tpu.memory_space<vmem_shared>>
      %dma_start3A_50 = arith.constant 0 : i32
      %dma_start3A_51 = tpu.memref_slice %arg9[%add3A_33, %dma_start3A_50] : memref<10240x128xf32, #tpu.memory_space<vmem_shared>> -> memref<80x128xf32, #tpu.memory_space<vmem_shared>>
      tpu.enqueue_dma source(%arg8 : memref<80x128xf32, #tpu.memory_space<vmem>>) target(%dma_start3A_51 : memref<80x128xf32, #tpu.memory_space<vmem_shared>>) target_semaphore(%run_scoped3A : memref<!tpu.dma_semaphore, #tpu.memory_space<semaphore_mem>>)
      %dma_wait3A = arith.constant 0 : i32
      %dma_wait3A_52 = tpu.memref_slice %arg9[%add3A_33, %dma_wait3A] : memref<10240x128xf32, #tpu.memory_space<vmem_shared>> -> memref<80x128xf32, #tpu.memory_space<vmem_shared>>
      %dma_wait3A_53 = arith.constant 0 : i32
      %dma_wait3A_54 = tpu.memref_slice %arg9[%add3A_33, %dma_wait3A_53] : memref<10240x128xf32, #tpu.memory_space<vmem_shared>> -> memref<80x128xf32, #tpu.memory_space<vmem_shared>>
      tpu.wait_dma2 semaphore(%run_scoped3A : memref<!tpu.dma_semaphore, #tpu.memory_space<semaphore_mem>>) src(%arg8 : memref<80x128xf32, #tpu.memory_space<vmem>>) dst(%dma_wait3A_54 : memref<80x128xf32, #tpu.memory_space<vmem_shared>>)
      tpu.yield
    }) : () -> ()
    %mul3A_34 = arith.constant 640 : i32
    %mul3A_35 = arith.muli %arg1, %mul3A_34 : i32
    %add3A_36 = arith.constant 560 : i32
    %add3A_37 = arith.addi %mul3A_35, %add3A_36 : i32
    "tpu.region"() ({
      %run_scoped3A = tpu.sem_alloc : memref<!tpu.dma_semaphore, #tpu.memory_space<semaphore_mem>>
      %dma_start3A = arith.constant 0 : i32
      %dma_start3A_49 = tpu.memref_slice %arg9[%add3A_37, %dma_start3A] : memref<10240x128xf32, #tpu.memory_space<vmem_shared>> -> memref<80x128xf32, #tpu.memory_space<vmem_shared>>
      %dma_start3A_50 = arith.constant 0 : i32
      %dma_start3A_51 = tpu.memref_slice %arg9[%add3A_37, %dma_start3A_50] : memref<10240x128xf32, #tpu.memory_space<vmem_shared>> -> memref<80x128xf32, #tpu.memory_space<vmem_shared>>
      tpu.enqueue_dma source(%arg8 : memref<80x128xf32, #tpu.memory_space<vmem>>) target(%dma_start3A_51 : memref<80x128xf32, #tpu.memory_space<vmem_shared>>) target_semaphore(%run_scoped3A : memref<!tpu.dma_semaphore, #tpu.memory_space<semaphore_mem>>)
      %dma_wait3A = arith.constant 0 : i32
      %dma_wait3A_52 = tpu.memref_slice %arg9[%add3A_37, %dma_wait3A] : memref<10240x128xf32, #tpu.memory_space<vmem_shared>> -> memref<80x128xf32, #tpu.memory_space<vmem_shared>>
      %dma_wait3A_53 = arith.constant 0 : i32
      %dma_wait3A_54 = tpu.memref_slice %arg9[%add3A_37, %dma_wait3A_53] : memref<10240x128xf32, #tpu.memory_space<vmem_shared>> -> memref<80x128xf32, #tpu.memory_space<vmem_shared>>
      tpu.wait_dma2 semaphore(%run_scoped3A : memref<!tpu.dma_semaphore, #tpu.memory_space<semaphore_mem>>) src(%arg8 : memref<80x128xf32, #tpu.memory_space<vmem>>) dst(%dma_wait3A_54 : memref<80x128xf32, #tpu.memory_space<vmem_shared>>)
      tpu.yield
    }) : () -> ()
    %barrier3A = arith.constant 0 : index
    tpu.barrier barrier_id(%barrier3A)
    %scan3A_38 = arith.constant 0 : i32
    %scan3A_39 = arith.constant 0 : i32
    %scan3A_40 = arith.constant 125 : i32
    %scan3A_41 = arith.addi %scan3A_39, %scan3A_40 : i32
    %scan3A_42 = arith.constant 1 : i32
    scf.for %scan3A_49 = %scan3A_39 to %scan3A_41 step %scan3A_42  : i32 {
      %mul3A_50 = arith.constant 10000 : i32
      %mul3A_51 = arith.muli %add3A, %mul3A_50 : i32
      %mul3A_52 = arith.constant 80 : i32
      %mul3A_53 = arith.muli %scan3A_49, %mul3A_52 : i32
      %add3A_54 = arith.addi %mul3A_51, %mul3A_53 : i32
      "tpu.region"() ({
        %run_scoped3A = tpu.sem_alloc : memref<!tpu.dma_semaphore, #tpu.memory_space<semaphore_mem>>
        %dma_start3A_59 = tpu.memref_slice %arg2[%add3A_54] : memref<320000xi32, #tpu.memory_space<hbm>> -> memref<80xi32, #tpu.memory_space<hbm>>
        %dma_start3A_60 = tpu.memref_slice %arg2[%add3A_54] : memref<320000xi32, #tpu.memory_space<hbm>> -> memref<80xi32, #tpu.memory_space<hbm>>
        tpu.enqueue_dma source(%dma_start3A_60 : memref<80xi32, #tpu.memory_space<hbm>>) target(%arg6 : memref<80xi32, #tpu.memory_space<vmem>>) target_semaphore(%run_scoped3A : memref<!tpu.dma_semaphore, #tpu.memory_space<semaphore_mem>>)
        %dma_wait3A_61 = tpu.memref_slice %arg2[%add3A_54] : memref<320000xi32, #tpu.memory_space<hbm>> -> memref<80xi32, #tpu.memory_space<hbm>>
        %dma_wait3A_62 = tpu.memref_slice %arg2[%add3A_54] : memref<320000xi32, #tpu.memory_space<hbm>> -> memref<80xi32, #tpu.memory_space<hbm>>
        tpu.wait_dma2 semaphore(%run_scoped3A : memref<!tpu.dma_semaphore, #tpu.memory_space<semaphore_mem>>) src(%dma_wait3A_62 : memref<80xi32, #tpu.memory_space<hbm>>) dst(%arg6 : memref<80xi32, #tpu.memory_space<vmem>>)
        tpu.yield
      }) : () -> ()
      "tpu.region"() ({
        %run_scoped3A = tpu.sem_alloc : memref<!tpu.dma_semaphore, #tpu.memory_space<semaphore_mem>>
        %dma_start3A_59 = tpu.memref_slice %arg3[%add3A_54] : memref<320000xi32, #tpu.memory_space<hbm>> -> memref<80xi32, #tpu.memory_space<hbm>>
        %dma_start3A_60 = tpu.memref_slice %arg3[%add3A_54] : memref<320000xi32, #tpu.memory_space<hbm>> -> memref<80xi32, #tpu.memory_space<hbm>>
        tpu.enqueue_dma source(%dma_start3A_60 : memref<80xi32, #tpu.memory_space<hbm>>) target(%arg7 : memref<80xi32, #tpu.memory_space<vmem>>) target_semaphore(%run_scoped3A : memref<!tpu.dma_semaphore, #tpu.memory_space<semaphore_mem>>)
        %dma_wait3A_61 = tpu.memref_slice %arg3[%add3A_54] : memref<320000xi32, #tpu.memory_space<hbm>> -> memref<80xi32, #tpu.memory_space<hbm>>
        %dma_wait3A_62 = tpu.memref_slice %arg3[%add3A_54] : memref<320000xi32, #tpu.memory_space<hbm>> -> memref<80xi32, #tpu.memory_space<hbm>>
        tpu.wait_dma2 semaphore(%run_scoped3A : memref<!tpu.dma_semaphore, #tpu.memory_space<semaphore_mem>>) src(%dma_wait3A_62 : memref<80xi32, #tpu.memory_space<hbm>>) dst(%arg7 : memref<80xi32, #tpu.memory_space<vmem>>)
        tpu.yield
      }) : () -> ()
      %dma_start3A = arith.constant 0 : i32
      %dma_start3A_55 = arith.constant 0 : i32
      %dma_start3A_56 = tpu.memref_slice %arg4[%dma_start3A, %dma_start3A_55] : memref<10000x128xf32, #tpu.memory_space<hbm>> -> memref<10000x128xf32, #tpu.memory_space<hbm>>
      tpu.enqueue_indirect_dma source(%dma_start3A_56 : memref<10000x128xf32, #tpu.memory_space<hbm>>) target(%arg8 : memref<80x128xf32, #tpu.memory_space<vmem>>) offsets(%arg6 : memref<80xi32, #tpu.memory_space<vmem>>) semaphore(%arg10 : memref<!tpu.dma_semaphore, #tpu.memory_space<semaphore_mem>>)
      %dma_wait3A = arith.constant 0 : i32
      %dma_wait3A_57 = arith.constant 0 : i32
      %dma_wait3A_58 = tpu.memref_slice %arg4[%dma_wait3A, %dma_wait3A_57] : memref<10000x128xf32, #tpu.memory_space<hbm>> -> memref<10000x128xf32, #tpu.memory_space<hbm>>
      tpu.wait_indirect_dma semaphore(%arg10 : memref<!tpu.dma_semaphore, #tpu.memory_space<semaphore_mem>>) src(%dma_wait3A_58 : memref<10000x128xf32, #tpu.memory_space<hbm>>) dst(%arg8 : memref<80x128xf32, #tpu.memory_space<vmem>>)
      "tpu.region"() ({
        %run_scoped3A = tpu.sem_alloc : memref<!tpu.dma_semaphore, #tpu.memory_space<semaphore_mem>>
        %dma_start3A_59 = arith.constant 0 : i32
        %dma_start3A_60 = arith.constant 0 : i32
        %dma_start3A_61 = tpu.memref_slice %arg9[%dma_start3A_59, %dma_start3A_60] : memref<10240x128xf32, #tpu.memory_space<vmem_shared>> -> memref<10240x128xf32, #tpu.memory_space<vmem_shared>>
        tpu.enqueue_indirect_dma source(%arg8 : memref<80x128xf32, #tpu.memory_space<vmem>>) target(%dma_start3A_61 : memref<10240x128xf32, #tpu.memory_space<vmem_shared>>) offsets(%arg7 : memref<80xi32, #tpu.memory_space<vmem>>) semaphore(%run_scoped3A : memref<!tpu.dma_semaphore, #tpu.memory_space<semaphore_mem>>) {add = true}
        %dma_wait3A_62 = arith.constant 0 : i32
        %dma_wait3A_63 = arith.constant 0 : i32
        %dma_wait3A_64 = tpu.memref_slice %arg9[%dma_wait3A_62, %dma_wait3A_63] : memref<10240x128xf32, #tpu.memory_space<vmem_shared>> -> memref<10240x128xf32, #tpu.memory_space<vmem_shared>>
        tpu.wait_indirect_dma semaphore(%run_scoped3A : memref<!tpu.dma_semaphore, #tpu.memory_space<semaphore_mem>>) src(%arg8 : memref<80x128xf32, #tpu.memory_space<vmem>>) dst(%dma_wait3A_64 : memref<10240x128xf32, #tpu.memory_space<vmem_shared>>)
        tpu.yield
      }) : () -> ()
    }
    %scan3A_43 = arith.constant 125 : i32
    %barrier3A_44 = arith.constant 0 : index
    tpu.barrier barrier_id(%barrier3A_44)
    %mul3A_45 = arith.constant 640 : i32
    %mul3A_46 = arith.muli %arg1, %mul3A_45 : i32
    %mul3A_47 = arith.constant 640 : i32
    %mul3A_48 = arith.muli %arg1, %mul3A_47 : i32
    "tpu.region"() ({
      %run_scoped3A = tpu.sem_alloc : memref<!tpu.dma_semaphore, #tpu.memory_space<semaphore_mem>>
      %dma_start3A = arith.constant 0 : i32
      %dma_start3A_49 = tpu.memref_slice %arg5[%arg0, %mul3A_48, %dma_start3A] : memref<2x10240x128xf32, #tpu.memory_space<hbm>> -> memref<1x640x128xf32, #tpu.memory_space<hbm>>
      %dma_start3A_50 = tpu.memref_squeeze %dma_start3A_49 : memref<1x640x128xf32, #tpu.memory_space<hbm>> -> memref<640x128xf32, #tpu.memory_space<hbm>>
      %dma_start3A_51 = arith.constant 0 : i32
      %dma_start3A_52 = tpu.memref_slice %arg9[%mul3A_46, %dma_start3A_51] : memref<10240x128xf32, #tpu.memory_space<vmem_shared>> -> memref<640x128xf32, #tpu.memory_space<vmem_shared>>
      tpu.enqueue_dma source(%dma_start3A_52 : memref<640x128xf32, #tpu.memory_space<vmem_shared>>) target(%dma_start3A_50 : memref<640x128xf32, #tpu.memory_space<hbm>>) target_semaphore(%run_scoped3A : memref<!tpu.dma_semaphore, #tpu.memory_space<semaphore_mem>>)
      %dma_wait3A = arith.constant 0 : i32
      %dma_wait3A_53 = tpu.memref_slice %arg5[%arg0, %mul3A_48, %dma_wait3A] : memref<2x10240x128xf32, #tpu.memory_space<hbm>> -> memref<1x640x128xf32, #tpu.memory_space<hbm>>
      %dma_wait3A_54 = tpu.memref_squeeze %dma_wait3A_53 : memref<1x640x128xf32, #tpu.memory_space<hbm>> -> memref<640x128xf32, #tpu.memory_space<hbm>>
      %dma_wait3A_55 = arith.constant 0 : i32
      %dma_wait3A_56 = tpu.memref_slice %arg9[%mul3A_46, %dma_wait3A_55] : memref<10240x128xf32, #tpu.memory_space<vmem_shared>> -> memref<640x128xf32, #tpu.memory_space<vmem_shared>>
      tpu.wait_dma2 semaphore(%run_scoped3A : memref<!tpu.dma_semaphore, #tpu.memory_space<semaphore_mem>>) src(%dma_wait3A_56 : memref<640x128xf32, #tpu.memory_space<vmem_shared>>) dst(%dma_wait3A_54 : memref<640x128xf32, #tpu.memory_space<hbm>>)
      tpu.yield
    }) : () -> ()
    return
  }
}

#map = affine_map<(d0, d1) -> (0)>
#map1 = affine_map<(d0, d1) -> (0, 0)>
#map2 = affine_map<(d0, d1) -> (0, 0, 0)>
module attributes {stable_mosaic.version = 14 : i64} {
  func.func @_segsum_kernel(%arg0: i32, %arg1: i32, %arg2: memref<320000xi32, #tpu.memory_space<hbm>>, %arg3: memref<320000xi32, #tpu.memory_space<hbm>>, %arg4: memref<10000x128xf32, #tpu.memory_space<hbm>>, %arg5: memref<2x10240x128xf32, #tpu.memory_space<hbm>>, %arg6: memref<80xi32, #tpu.memory_space<vmem>>, %arg7: memref<80xi32, #tpu.memory_space<vmem>>, %arg8: memref<80x128xf32, #tpu.memory_space<vmem>>, %arg9: memref<10240x128xf32, #tpu.memory_space<vmem_shared>>, %arg10: memref<!tpu.dma_semaphore, #tpu.memory_space<semaphore_mem>>) attributes {dimension_semantics = [#tpu.dimension_semantics<core_parallel>, #tpu.dimension_semantics<subcore_parallel>], iteration_bounds = array<i64: 2, 16>, scalar_prefetch = 0 : i64, scratch_operands = 5 : i64, tpu.core_type = #tpu.core_type<sc_vector_subcore>, window_params = [{transform_indices = #map}, {transform_indices = #map}, {transform_indices = #map1}, {transform_indices = #map2}]} {
    %mul3A = arith.constant 16 : i32
    %mul3A_0 = arith.muli %arg0, %mul3A : i32
    %add3A = arith.addi %mul3A_0, %arg1 : i32
    %scan3A = arith.constant 0 : i32
    %scan3A_1 = arith.constant 0 : i32
    %scan3A_2 = arith.constant 80 : i32
    %scan3A_3 = arith.addi %scan3A_1, %scan3A_2 : i32
    %scan3A_4 = arith.constant 1 : i32
    scf.for %scan3A_49 = %scan3A_1 to %scan3A_3 step %scan3A_4  : i32 {
      %broadcast_in_dim3A = arith.constant 0.000000e+00 : f32
      %broadcast_in_dim3A_50 = vector.broadcast %broadcast_in_dim3A : f32 to vector<16xf32>
      %swap3A = arith.index_cast %scan3A_49 : i32 to index
      %swap3A_51 = arith.constant 0 : index
      %swap3A_52 = tpu.vector_load %arg8[%swap3A, %swap3A_51] {strides = array<i32>} : memref<80x128xf32, #tpu.memory_space<vmem>>, vector<1x16xf32>,
      %swap3A_53 = vector.shape_cast %swap3A_52 : vector<1x16xf32> to vector<16xf32>
      %swap3A_54 = vector.shape_cast %broadcast_in_dim3A_50 : vector<16xf32> to vector<1x16xf32>
      tpu.vector_store %arg8[%swap3A, %swap3A_51], %swap3A_54 {strides = array<i32>} : memref<80x128xf32, #tpu.memory_space<vmem>>, vector<1x16xf32>,
      %broadcast_in_dim3A_55 = arith.constant 0.000000e+00 : f32
      %broadcast_in_dim3A_56 = vector.broadcast %broadcast_in_dim3A_55 : f32 to vector<16xf32>
      %swap3A_57 = arith.index_cast %scan3A_49 : i32 to index
      %swap3A_58 = arith.constant 16 : index
      %swap3A_59 = tpu.vector_load %arg8[%swap3A_57, %swap3A_58] {strides = array<i32>} : memref<80x128xf32, #tpu.memory_space<vmem>>, vector<1x16xf32>,
      %swap3A_60 = vector.shape_cast %swap3A_59 : vector<1x16xf32> to vector<16xf32>
      %swap3A_61 = vector.shape_cast %broadcast_in_dim3A_56 : vector<16xf32> to vector<1x16xf32>
      tpu.vector_store %arg8[%swap3A_57, %swap3A_58], %swap3A_61 {strides = array<i32>} : memref<80x128xf32, #tpu.memory_space<vmem>>, vector<1x16xf32>,
      %broadcast_in_dim3A_62 = arith.constant 0.000000e+00 : f32
      %broadcast_in_dim3A_63 = vector.broadcast %broadcast_in_dim3A_62 : f32 to vector<16xf32>
      %swap3A_64 = arith.index_cast %scan3A_49 : i32 to index
      %swap3A_65 = arith.constant 32 : index
      %swap3A_66 = tpu.vector_load %arg8[%swap3A_64, %swap3A_65] {strides = array<i32>} : memref<80x128xf32, #tpu.memory_space<vmem>>, vector<1x16xf32>,
      %swap3A_67 = vector.shape_cast %swap3A_66 : vector<1x16xf32> to vector<16xf32>
      %swap3A_68 = vector.shape_cast %broadcast_in_dim3A_63 : vector<16xf32> to vector<1x16xf32>
      tpu.vector_store %arg8[%swap3A_64, %swap3A_65], %swap3A_68 {strides = array<i32>} : memref<80x128xf32, #tpu.memory_space<vmem>>, vector<1x16xf32>,
      %broadcast_in_dim3A_69 = arith.constant 0.000000e+00 : f32
      %broadcast_in_dim3A_70 = vector.broadcast %broadcast_in_dim3A_69 : f32 to vector<16xf32>
      %swap3A_71 = arith.index_cast %scan3A_49 : i32 to index
      %swap3A_72 = arith.constant 48 : index
      %swap3A_73 = tpu.vector_load %arg8[%swap3A_71, %swap3A_72] {strides = array<i32>} : memref<80x128xf32, #tpu.memory_space<vmem>>, vector<1x16xf32>,
      %swap3A_74 = vector.shape_cast %swap3A_73 : vector<1x16xf32> to vector<16xf32>
      %swap3A_75 = vector.shape_cast %broadcast_in_dim3A_70 : vector<16xf32> to vector<1x16xf32>
      tpu.vector_store %arg8[%swap3A_71, %swap3A_72], %swap3A_75 {strides = array<i32>} : memref<80x128xf32, #tpu.memory_space<vmem>>, vector<1x16xf32>,
      %broadcast_in_dim3A_76 = arith.constant 0.000000e+00 : f32
      %broadcast_in_dim3A_77 = vector.broadcast %broadcast_in_dim3A_76 : f32 to vector<16xf32>
      %swap3A_78 = arith.index_cast %scan3A_49 : i32 to index
      %swap3A_79 = arith.constant 64 : index
      %swap3A_80 = tpu.vector_load %arg8[%swap3A_78, %swap3A_79] {strides = array<i32>} : memref<80x128xf32, #tpu.memory_space<vmem>>, vector<1x16xf32>,
      %swap3A_81 = vector.shape_cast %swap3A_80 : vector<1x16xf32> to vector<16xf32>
      %swap3A_82 = vector.shape_cast %broadcast_in_dim3A_77 : vector<16xf32> to vector<1x16xf32>
      tpu.vector_store %arg8[%swap3A_78, %swap3A_79], %swap3A_82 {strides = array<i32>} : memref<80x128xf32, #tpu.memory_space<vmem>>, vector<1x16xf32>,
      %broadcast_in_dim3A_83 = arith.constant 0.000000e+00 : f32
      %broadcast_in_dim3A_84 = vector.broadcast %broadcast_in_dim3A_83 : f32 to vector<16xf32>
      %swap3A_85 = arith.index_cast %scan3A_49 : i32 to index
      %swap3A_86 = arith.constant 80 : index
      %swap3A_87 = tpu.vector_load %arg8[%swap3A_85, %swap3A_86] {strides = array<i32>} : memref<80x128xf32, #tpu.memory_space<vmem>>, vector<1x16xf32>,
      %swap3A_88 = vector.shape_cast %swap3A_87 : vector<1x16xf32> to vector<16xf32>
      %swap3A_89 = vector.shape_cast %broadcast_in_dim3A_84 : vector<16xf32> to vector<1x16xf32>
      tpu.vector_store %arg8[%swap3A_85, %swap3A_86], %swap3A_89 {strides = array<i32>} : memref<80x128xf32, #tpu.memory_space<vmem>>, vector<1x16xf32>,
      %broadcast_in_dim3A_90 = arith.constant 0.000000e+00 : f32
      %broadcast_in_dim3A_91 = vector.broadcast %broadcast_in_dim3A_90 : f32 to vector<16xf32>
      %swap3A_92 = arith.index_cast %scan3A_49 : i32 to index
      %swap3A_93 = arith.constant 96 : index
      %swap3A_94 = tpu.vector_load %arg8[%swap3A_92, %swap3A_93] {strides = array<i32>} : memref<80x128xf32, #tpu.memory_space<vmem>>, vector<1x16xf32>,
      %swap3A_95 = vector.shape_cast %swap3A_94 : vector<1x16xf32> to vector<16xf32>
      %swap3A_96 = vector.shape_cast %broadcast_in_dim3A_91 : vector<16xf32> to vector<1x16xf32>
      tpu.vector_store %arg8[%swap3A_92, %swap3A_93], %swap3A_96 {strides = array<i32>} : memref<80x128xf32, #tpu.memory_space<vmem>>, vector<1x16xf32>,
      %broadcast_in_dim3A_97 = arith.constant 0.000000e+00 : f32
      %broadcast_in_dim3A_98 = vector.broadcast %broadcast_in_dim3A_97 : f32 to vector<16xf32>
      %swap3A_99 = arith.index_cast %scan3A_49 : i32 to index
      %swap3A_100 = arith.constant 112 : index
      %swap3A_101 = tpu.vector_load %arg8[%swap3A_99, %swap3A_100] {strides = array<i32>} : memref<80x128xf32, #tpu.memory_space<vmem>>, vector<1x16xf32>,
      %swap3A_102 = vector.shape_cast %swap3A_101 : vector<1x16xf32> to vector<16xf32>
      %swap3A_103 = vector.shape_cast %broadcast_in_dim3A_98 : vector<16xf32> to vector<1x16xf32>
      tpu.vector_store %arg8[%swap3A_99, %swap3A_100], %swap3A_103 {strides = array<i32>} : memref<80x128xf32, #tpu.memory_space<vmem>>, vector<1x16xf32>,
    }
    %scan3A_5 = arith.constant 80 : i32
    %mul3A_6 = arith.constant 640 : i32
    %mul3A_7 = arith.muli %arg1, %mul3A_6 : i32
    %add3A_8 = arith.constant 0 : i32
    %add3A_9 = arith.addi %mul3A_7, %add3A_8 : i32
    "tpu.region"() ({
      %run_scoped3A = tpu.sem_alloc : memref<!tpu.dma_semaphore, #tpu.memory_space<semaphore_mem>>
      %dma_start3A = arith.constant 0 : i32
      %dma_start3A_49 = tpu.memref_slice %arg9[%add3A_9, %dma_start3A] : memref<10240x128xf32, #tpu.memory_space<vmem_shared>> -> memref<80x128xf32, #tpu.memory_space<vmem_shared>>
      %dma_start3A_50 = arith.constant 0 : i32
      %dma_start3A_51 = tpu.memref_slice %arg9[%add3A_9, %dma_start3A_50] : memref<10240x128xf32, #tpu.memory_space<vmem_shared>> -> memref<80x128xf32, #tpu.memory_space<vmem_shared>>
      tpu.enqueue_dma source(%arg8 : memref<80x128xf32, #tpu.memory_space<vmem>>) target(%dma_start3A_51 : memref<80x128xf32, #tpu.memory_space<vmem_shared>>) target_semaphore(%run_scoped3A : memref<!tpu.dma_semaphore, #tpu.memory_space<semaphore_mem>>)
      %dma_wait3A = arith.constant 0 : i32
      %dma_wait3A_52 = tpu.memref_slice %arg9[%add3A_9, %dma_wait3A] : memref<10240x128xf32, #tpu.memory_space<vmem_shared>> -> memref<80x128xf32, #tpu.memory_space<vmem_shared>>
      %dma_wait3A_53 = arith.constant 0 : i32
      %dma_wait3A_54 = tpu.memref_slice %arg9[%add3A_9, %dma_wait3A_53] : memref<10240x128xf32, #tpu.memory_space<vmem_shared>> -> memref<80x128xf32, #tpu.memory_space<vmem_shared>>
      tpu.wait_dma2 semaphore(%run_scoped3A : memref<!tpu.dma_semaphore, #tpu.memory_space<semaphore_mem>>) src(%arg8 : memref<80x128xf32, #tpu.memory_space<vmem>>) dst(%dma_wait3A_54 : memref<80x128xf32, #tpu.memory_space<vmem_shared>>)
      tpu.yield
    }) : () -> ()
    %mul3A_10 = arith.constant 640 : i32
    %mul3A_11 = arith.muli %arg1, %mul3A_10 : i32
    %add3A_12 = arith.constant 80 : i32
    %add3A_13 = arith.addi %mul3A_11, %add3A_12 : i32
    "tpu.region"() ({
      %run_scoped3A = tpu.sem_alloc : memref<!tpu.dma_semaphore, #tpu.memory_space<semaphore_mem>>
      %dma_start3A = arith.constant 0 : i32
      %dma_start3A_49 = tpu.memref_slice %arg9[%add3A_13, %dma_start3A] : memref<10240x128xf32, #tpu.memory_space<vmem_shared>> -> memref<80x128xf32, #tpu.memory_space<vmem_shared>>
      %dma_start3A_50 = arith.constant 0 : i32
      %dma_start3A_51 = tpu.memref_slice %arg9[%add3A_13, %dma_start3A_50] : memref<10240x128xf32, #tpu.memory_space<vmem_shared>> -> memref<80x128xf32, #tpu.memory_space<vmem_shared>>
      tpu.enqueue_dma source(%arg8 : memref<80x128xf32, #tpu.memory_space<vmem>>) target(%dma_start3A_51 : memref<80x128xf32, #tpu.memory_space<vmem_shared>>) target_semaphore(%run_scoped3A : memref<!tpu.dma_semaphore, #tpu.memory_space<semaphore_mem>>)
      %dma_wait3A = arith.constant 0 : i32
      %dma_wait3A_52 = tpu.memref_slice %arg9[%add3A_13, %dma_wait3A] : memref<10240x128xf32, #tpu.memory_space<vmem_shared>> -> memref<80x128xf32, #tpu.memory_space<vmem_shared>>
      %dma_wait3A_53 = arith.constant 0 : i32
      %dma_wait3A_54 = tpu.memref_slice %arg9[%add3A_13, %dma_wait3A_53] : memref<10240x128xf32, #tpu.memory_space<vmem_shared>> -> memref<80x128xf32, #tpu.memory_space<vmem_shared>>
      tpu.wait_dma2 semaphore(%run_scoped3A : memref<!tpu.dma_semaphore, #tpu.memory_space<semaphore_mem>>) src(%arg8 : memref<80x128xf32, #tpu.memory_space<vmem>>) dst(%dma_wait3A_54 : memref<80x128xf32, #tpu.memory_space<vmem_shared>>)
      tpu.yield
    }) : () -> ()
    %mul3A_14 = arith.constant 640 : i32
    %mul3A_15 = arith.muli %arg1, %mul3A_14 : i32
    %add3A_16 = arith.constant 160 : i32
    %add3A_17 = arith.addi %mul3A_15, %add3A_16 : i32
    "tpu.region"() ({
      %run_scoped3A = tpu.sem_alloc : memref<!tpu.dma_semaphore, #tpu.memory_space<semaphore_mem>>
      %dma_start3A = arith.constant 0 : i32
      %dma_start3A_49 = tpu.memref_slice %arg9[%add3A_17, %dma_start3A] : memref<10240x128xf32, #tpu.memory_space<vmem_shared>> -> memref<80x128xf32, #tpu.memory_space<vmem_shared>>
      %dma_start3A_50 = arith.constant 0 : i32
      %dma_start3A_51 = tpu.memref_slice %arg9[%add3A_17, %dma_start3A_50] : memref<10240x128xf32, #tpu.memory_space<vmem_shared>> -> memref<80x128xf32, #tpu.memory_space<vmem_shared>>
      tpu.enqueue_dma source(%arg8 : memref<80x128xf32, #tpu.memory_space<vmem>>) target(%dma_start3A_51 : memref<80x128xf32, #tpu.memory_space<vmem_shared>>) target_semaphore(%run_scoped3A : memref<!tpu.dma_semaphore, #tpu.memory_space<semaphore_mem>>)
      %dma_wait3A = arith.constant 0 : i32
      %dma_wait3A_52 = tpu.memref_slice %arg9[%add3A_17, %dma_wait3A] : memref<10240x128xf32, #tpu.memory_space<vmem_shared>> -> memref<80x128xf32, #tpu.memory_space<vmem_shared>>
      %dma_wait3A_53 = arith.constant 0 : i32
      %dma_wait3A_54 = tpu.memref_slice %arg9[%add3A_17, %dma_wait3A_53] : memref<10240x128xf32, #tpu.memory_space<vmem_shared>> -> memref<80x128xf32, #tpu.memory_space<vmem_shared>>
      tpu.wait_dma2 semaphore(%run_scoped3A : memref<!tpu.dma_semaphore, #tpu.memory_space<semaphore_mem>>) src(%arg8 : memref<80x128xf32, #tpu.memory_space<vmem>>) dst(%dma_wait3A_54 : memref<80x128xf32, #tpu.memory_space<vmem_shared>>)
      tpu.yield
    }) : () -> ()
    %mul3A_18 = arith.constant 640 : i32
    %mul3A_19 = arith.muli %arg1, %mul3A_18 : i32
    %add3A_20 = arith.constant 240 : i32
    %add3A_21 = arith.addi %mul3A_19, %add3A_20 : i32
    "tpu.region"() ({
      %run_scoped3A = tpu.sem_alloc : memref<!tpu.dma_semaphore, #tpu.memory_space<semaphore_mem>>
      %dma_start3A = arith.constant 0 : i32
      %dma_start3A_49 = tpu.memref_slice %arg9[%add3A_21, %dma_start3A] : memref<10240x128xf32, #tpu.memory_space<vmem_shared>> -> memref<80x128xf32, #tpu.memory_space<vmem_shared>>
      %dma_start3A_50 = arith.constant 0 : i32
      %dma_start3A_51 = tpu.memref_slice %arg9[%add3A_21, %dma_start3A_50] : memref<10240x128xf32, #tpu.memory_space<vmem_shared>> -> memref<80x128xf32, #tpu.memory_space<vmem_shared>>
      tpu.enqueue_dma source(%arg8 : memref<80x128xf32, #tpu.memory_space<vmem>>) target(%dma_start3A_51 : memref<80x128xf32, #tpu.memory_space<vmem_shared>>) target_semaphore(%run_scoped3A : memref<!tpu.dma_semaphore, #tpu.memory_space<semaphore_mem>>)
      %dma_wait3A = arith.constant 0 : i32
      %dma_wait3A_52 = tpu.memref_slice %arg9[%add3A_21, %dma_wait3A] : memref<10240x128xf32, #tpu.memory_space<vmem_shared>> -> memref<80x128xf32, #tpu.memory_space<vmem_shared>>
      %dma_wait3A_53 = arith.constant 0 : i32
      %dma_wait3A_54 = tpu.memref_slice %arg9[%add3A_21, %dma_wait3A_53] : memref<10240x128xf32, #tpu.memory_space<vmem_shared>> -> memref<80x128xf32, #tpu.memory_space<vmem_shared>>
      tpu.wait_dma2 semaphore(%run_scoped3A : memref<!tpu.dma_semaphore, #tpu.memory_space<semaphore_mem>>) src(%arg8 : memref<80x128xf32, #tpu.memory_space<vmem>>) dst(%dma_wait3A_54 : memref<80x128xf32, #tpu.memory_space<vmem_shared>>)
      tpu.yield
    }) : () -> ()
    %mul3A_22 = arith.constant 640 : i32
    %mul3A_23 = arith.muli %arg1, %mul3A_22 : i32
    %add3A_24 = arith.constant 320 : i32
    %add3A_25 = arith.addi %mul3A_23, %add3A_24 : i32
    "tpu.region"() ({
      %run_scoped3A = tpu.sem_alloc : memref<!tpu.dma_semaphore, #tpu.memory_space<semaphore_mem>>
      %dma_start3A = arith.constant 0 : i32
      %dma_start3A_49 = tpu.memref_slice %arg9[%add3A_25, %dma_start3A] : memref<10240x128xf32, #tpu.memory_space<vmem_shared>> -> memref<80x128xf32, #tpu.memory_space<vmem_shared>>
      %dma_start3A_50 = arith.constant 0 : i32
      %dma_start3A_51 = tpu.memref_slice %arg9[%add3A_25, %dma_start3A_50] : memref<10240x128xf32, #tpu.memory_space<vmem_shared>> -> memref<80x128xf32, #tpu.memory_space<vmem_shared>>
      tpu.enqueue_dma source(%arg8 : memref<80x128xf32, #tpu.memory_space<vmem>>) target(%dma_start3A_51 : memref<80x128xf32, #tpu.memory_space<vmem_shared>>) target_semaphore(%run_scoped3A : memref<!tpu.dma_semaphore, #tpu.memory_space<semaphore_mem>>)
      %dma_wait3A = arith.constant 0 : i32
      %dma_wait3A_52 = tpu.memref_slice %arg9[%add3A_25, %dma_wait3A] : memref<10240x128xf32, #tpu.memory_space<vmem_shared>> -> memref<80x128xf32, #tpu.memory_space<vmem_shared>>
      %dma_wait3A_53 = arith.constant 0 : i32
      %dma_wait3A_54 = tpu.memref_slice %arg9[%add3A_25, %dma_wait3A_53] : memref<10240x128xf32, #tpu.memory_space<vmem_shared>> -> memref<80x128xf32, #tpu.memory_space<vmem_shared>>
      tpu.wait_dma2 semaphore(%run_scoped3A : memref<!tpu.dma_semaphore, #tpu.memory_space<semaphore_mem>>) src(%arg8 : memref<80x128xf32, #tpu.memory_space<vmem>>) dst(%dma_wait3A_54 : memref<80x128xf32, #tpu.memory_space<vmem_shared>>)
      tpu.yield
    }) : () -> ()
    %mul3A_26 = arith.constant 640 : i32
    %mul3A_27 = arith.muli %arg1, %mul3A_26 : i32
    %add3A_28 = arith.constant 400 : i32
    %add3A_29 = arith.addi %mul3A_27, %add3A_28 : i32
    "tpu.region"() ({
      %run_scoped3A = tpu.sem_alloc : memref<!tpu.dma_semaphore, #tpu.memory_space<semaphore_mem>>
      %dma_start3A = arith.constant 0 : i32
      %dma_start3A_49 = tpu.memref_slice %arg9[%add3A_29, %dma_start3A] : memref<10240x128xf32, #tpu.memory_space<vmem_shared>> -> memref<80x128xf32, #tpu.memory_space<vmem_shared>>
      %dma_start3A_50 = arith.constant 0 : i32
      %dma_start3A_51 = tpu.memref_slice %arg9[%add3A_29, %dma_start3A_50] : memref<10240x128xf32, #tpu.memory_space<vmem_shared>> -> memref<80x128xf32, #tpu.memory_space<vmem_shared>>
      tpu.enqueue_dma source(%arg8 : memref<80x128xf32, #tpu.memory_space<vmem>>) target(%dma_start3A_51 : memref<80x128xf32, #tpu.memory_space<vmem_shared>>) target_semaphore(%run_scoped3A : memref<!tpu.dma_semaphore, #tpu.memory_space<semaphore_mem>>)
      %dma_wait3A = arith.constant 0 : i32
      %dma_wait3A_52 = tpu.memref_slice %arg9[%add3A_29, %dma_wait3A] : memref<10240x128xf32, #tpu.memory_space<vmem_shared>> -> memref<80x128xf32, #tpu.memory_space<vmem_shared>>
      %dma_wait3A_53 = arith.constant 0 : i32
      %dma_wait3A_54 = tpu.memref_slice %arg9[%add3A_29, %dma_wait3A_53] : memref<10240x128xf32, #tpu.memory_space<vmem_shared>> -> memref<80x128xf32, #tpu.memory_space<vmem_shared>>
      tpu.wait_dma2 semaphore(%run_scoped3A : memref<!tpu.dma_semaphore, #tpu.memory_space<semaphore_mem>>) src(%arg8 : memref<80x128xf32, #tpu.memory_space<vmem>>) dst(%dma_wait3A_54 : memref<80x128xf32, #tpu.memory_space<vmem_shared>>)
      tpu.yield
    }) : () -> ()
    %mul3A_30 = arith.constant 640 : i32
    %mul3A_31 = arith.muli %arg1, %mul3A_30 : i32
    %add3A_32 = arith.constant 480 : i32
    %add3A_33 = arith.addi %mul3A_31, %add3A_32 : i32
    "tpu.region"() ({
      %run_scoped3A = tpu.sem_alloc : memref<!tpu.dma_semaphore, #tpu.memory_space<semaphore_mem>>
      %dma_start3A = arith.constant 0 : i32
      %dma_start3A_49 = tpu.memref_slice %arg9[%add3A_33, %dma_start3A] : memref<10240x128xf32, #tpu.memory_space<vmem_shared>> -> memref<80x128xf32, #tpu.memory_space<vmem_shared>>
      %dma_start3A_50 = arith.constant 0 : i32
      %dma_start3A_51 = tpu.memref_slice %arg9[%add3A_33, %dma_start3A_50] : memref<10240x128xf32, #tpu.memory_space<vmem_shared>> -> memref<80x128xf32, #tpu.memory_space<vmem_shared>>
      tpu.enqueue_dma source(%arg8 : memref<80x128xf32, #tpu.memory_space<vmem>>) target(%dma_start3A_51 : memref<80x128xf32, #tpu.memory_space<vmem_shared>>) target_semaphore(%run_scoped3A : memref<!tpu.dma_semaphore, #tpu.memory_space<semaphore_mem>>)
      %dma_wait3A = arith.constant 0 : i32
      %dma_wait3A_52 = tpu.memref_slice %arg9[%add3A_33, %dma_wait3A] : memref<10240x128xf32, #tpu.memory_space<vmem_shared>> -> memref<80x128xf32, #tpu.memory_space<vmem_shared>>
      %dma_wait3A_53 = arith.constant 0 : i32
      %dma_wait3A_54 = tpu.memref_slice %arg9[%add3A_33, %dma_wait3A_53] : memref<10240x128xf32, #tpu.memory_space<vmem_shared>> -> memref<80x128xf32, #tpu.memory_space<vmem_shared>>
      tpu.wait_dma2 semaphore(%run_scoped3A : memref<!tpu.dma_semaphore, #tpu.memory_space<semaphore_mem>>) src(%arg8 : memref<80x128xf32, #tpu.memory_space<vmem>>) dst(%dma_wait3A_54 : memref<80x128xf32, #tpu.memory_space<vmem_shared>>)
      tpu.yield
    }) : () -> ()
    %mul3A_34 = arith.constant 640 : i32
    %mul3A_35 = arith.muli %arg1, %mul3A_34 : i32
    %add3A_36 = arith.constant 560 : i32
    %add3A_37 = arith.addi %mul3A_35, %add3A_36 : i32
    "tpu.region"() ({
      %run_scoped3A = tpu.sem_alloc : memref<!tpu.dma_semaphore, #tpu.memory_space<semaphore_mem>>
      %dma_start3A = arith.constant 0 : i32
      %dma_start3A_49 = tpu.memref_slice %arg9[%add3A_37, %dma_start3A] : memref<10240x128xf32, #tpu.memory_space<vmem_shared>> -> memref<80x128xf32, #tpu.memory_space<vmem_shared>>
      %dma_start3A_50 = arith.constant 0 : i32
      %dma_start3A_51 = tpu.memref_slice %arg9[%add3A_37, %dma_start3A_50] : memref<10240x128xf32, #tpu.memory_space<vmem_shared>> -> memref<80x128xf32, #tpu.memory_space<vmem_shared>>
      tpu.enqueue_dma source(%arg8 : memref<80x128xf32, #tpu.memory_space<vmem>>) target(%dma_start3A_51 : memref<80x128xf32, #tpu.memory_space<vmem_shared>>) target_semaphore(%run_scoped3A : memref<!tpu.dma_semaphore, #tpu.memory_space<semaphore_mem>>)
      %dma_wait3A = arith.constant 0 : i32
      %dma_wait3A_52 = tpu.memref_slice %arg9[%add3A_37, %dma_wait3A] : memref<10240x128xf32, #tpu.memory_space<vmem_shared>> -> memref<80x128xf32, #tpu.memory_space<vmem_shared>>
      %dma_wait3A_53 = arith.constant 0 : i32
      %dma_wait3A_54 = tpu.memref_slice %arg9[%add3A_37, %dma_wait3A_53] : memref<10240x128xf32, #tpu.memory_space<vmem_shared>> -> memref<80x128xf32, #tpu.memory_space<vmem_shared>>
      tpu.wait_dma2 semaphore(%run_scoped3A : memref<!tpu.dma_semaphore, #tpu.memory_space<semaphore_mem>>) src(%arg8 : memref<80x128xf32, #tpu.memory_space<vmem>>) dst(%dma_wait3A_54 : memref<80x128xf32, #tpu.memory_space<vmem_shared>>)
      tpu.yield
    }) : () -> ()
    %barrier3A = arith.constant 0 : index
    tpu.barrier barrier_id(%barrier3A)
    %scan3A_38 = arith.constant 0 : i32
    %scan3A_39 = arith.constant 0 : i32
    %scan3A_40 = arith.constant 125 : i32
    %scan3A_41 = arith.addi %scan3A_39, %scan3A_40 : i32
    %scan3A_42 = arith.constant 1 : i32
    scf.for %scan3A_49 = %scan3A_39 to %scan3A_41 step %scan3A_42  : i32 {
      %mul3A_50 = arith.constant 10000 : i32
      %mul3A_51 = arith.muli %add3A, %mul3A_50 : i32
      %mul3A_52 = arith.constant 80 : i32
      %mul3A_53 = arith.muli %scan3A_49, %mul3A_52 : i32
      %add3A_54 = arith.addi %mul3A_51, %mul3A_53 : i32
      "tpu.region"() ({
        %run_scoped3A = tpu.sem_alloc : memref<!tpu.dma_semaphore, #tpu.memory_space<semaphore_mem>>
        %dma_start3A_59 = tpu.memref_slice %arg2[%add3A_54] : memref<320000xi32, #tpu.memory_space<hbm>> -> memref<80xi32, #tpu.memory_space<hbm>>
        %dma_start3A_60 = tpu.memref_slice %arg2[%add3A_54] : memref<320000xi32, #tpu.memory_space<hbm>> -> memref<80xi32, #tpu.memory_space<hbm>>
        tpu.enqueue_dma source(%dma_start3A_60 : memref<80xi32, #tpu.memory_space<hbm>>) target(%arg6 : memref<80xi32, #tpu.memory_space<vmem>>) target_semaphore(%run_scoped3A : memref<!tpu.dma_semaphore, #tpu.memory_space<semaphore_mem>>)
        %dma_wait3A_61 = tpu.memref_slice %arg2[%add3A_54] : memref<320000xi32, #tpu.memory_space<hbm>> -> memref<80xi32, #tpu.memory_space<hbm>>
        %dma_wait3A_62 = tpu.memref_slice %arg2[%add3A_54] : memref<320000xi32, #tpu.memory_space<hbm>> -> memref<80xi32, #tpu.memory_space<hbm>>
        tpu.wait_dma2 semaphore(%run_scoped3A : memref<!tpu.dma_semaphore, #tpu.memory_space<semaphore_mem>>) src(%dma_wait3A_62 : memref<80xi32, #tpu.memory_space<hbm>>) dst(%arg6 : memref<80xi32, #tpu.memory_space<vmem>>)
        tpu.yield
      }) : () -> ()
      "tpu.region"() ({
        %run_scoped3A = tpu.sem_alloc : memref<!tpu.dma_semaphore, #tpu.memory_space<semaphore_mem>>
        %dma_start3A_59 = tpu.memref_slice %arg3[%add3A_54] : memref<320000xi32, #tpu.memory_space<hbm>> -> memref<80xi32, #tpu.memory_space<hbm>>
        %dma_start3A_60 = tpu.memref_slice %arg3[%add3A_54] : memref<320000xi32, #tpu.memory_space<hbm>> -> memref<80xi32, #tpu.memory_space<hbm>>
        tpu.enqueue_dma source(%dma_start3A_60 : memref<80xi32, #tpu.memory_space<hbm>>) target(%arg7 : memref<80xi32, #tpu.memory_space<vmem>>) target_semaphore(%run_scoped3A : memref<!tpu.dma_semaphore, #tpu.memory_space<semaphore_mem>>)
        %dma_wait3A_61 = tpu.memref_slice %arg3[%add3A_54] : memref<320000xi32, #tpu.memory_space<hbm>> -> memref<80xi32, #tpu.memory_space<hbm>>
        %dma_wait3A_62 = tpu.memref_slice %arg3[%add3A_54] : memref<320000xi32, #tpu.memory_space<hbm>> -> memref<80xi32, #tpu.memory_space<hbm>>
        tpu.wait_dma2 semaphore(%run_scoped3A : memref<!tpu.dma_semaphore, #tpu.memory_space<semaphore_mem>>) src(%dma_wait3A_62 : memref<80xi32, #tpu.memory_space<hbm>>) dst(%arg7 : memref<80xi32, #tpu.memory_space<vmem>>)
        tpu.yield
      }) : () -> ()
      %dma_start3A = arith.constant 0 : i32
      %dma_start3A_55 = arith.constant 0 : i32
      %dma_start3A_56 = tpu.memref_slice %arg4[%dma_start3A, %dma_start3A_55] : memref<10000x128xf32, #tpu.memory_space<hbm>> -> memref<10000x128xf32, #tpu.memory_space<hbm>>
      tpu.enqueue_indirect_dma source(%dma_start3A_56 : memref<10000x128xf32, #tpu.memory_space<hbm>>) target(%arg8 : memref<80x128xf32, #tpu.memory_space<vmem>>) offsets(%arg6 : memref<80xi32, #tpu.memory_space<vmem>>) semaphore(%arg10 : memref<!tpu.dma_semaphore, #tpu.memory_space<semaphore_mem>>)
      %dma_wait3A = arith.constant 0 : i32
      %dma_wait3A_57 = arith.constant 0 : i32
      %dma_wait3A_58 = tpu.memref_slice %arg4[%dma_wait3A, %dma_wait3A_57] : memref<10000x128xf32, #tpu.memory_space<hbm>> -> memref<10000x128xf32, #tpu.memory_space<hbm>>
      tpu.wait_indirect_dma semaphore(%arg10 : memref<!tpu.dma_semaphore, #tpu.memory_space<semaphore_mem>>) src(%dma_wait3A_58 : memref<10000x128xf32, #tpu.memory_space<hbm>>) dst(%arg8 : memref<80x128xf32, #tpu.memory_space<vmem>>)
      "tpu.region"() ({
        %run_scoped3A = tpu.sem_alloc : memref<!tpu.dma_semaphore, #tpu.memory_space<semaphore_mem>>
        %dma_start3A_59 = arith.constant 0 : i32
        %dma_start3A_60 = arith.constant 0 : i32
        %dma_start3A_61 = tpu.memref_slice %arg9[%dma_start3A_59, %dma_start3A_60] : memref<10240x128xf32, #tpu.memory_space<vmem_shared>> -> memref<10240x128xf32, #tpu.memory_space<vmem_shared>>
        tpu.enqueue_indirect_dma source(%arg8 : memref<80x128xf32, #tpu.memory_space<vmem>>) target(%dma_start3A_61 : memref<10240x128xf32, #tpu.memory_space<vmem_shared>>) offsets(%arg7 : memref<80xi32, #tpu.memory_space<vmem>>) semaphore(%run_scoped3A : memref<!tpu.dma_semaphore, #tpu.memory_space<semaphore_mem>>) {add = true}
        %dma_wait3A_62 = arith.constant 0 : i32
        %dma_wait3A_63 = arith.constant 0 : i32
        %dma_wait3A_64 = tpu.memref_slice %arg9[%dma_wait3A_62, %dma_wait3A_63] : memref<10240x128xf32, #tpu.memory_space<vmem_shared>> -> memref<10240x128xf32, #tpu.memory_space<vmem_shared>>
        tpu.wait_indirect_dma semaphore(%run_scoped3A : memref<!tpu.dma_semaphore, #tpu.memory_space<semaphore_mem>>) src(%arg8 : memref<80x128xf32, #tpu.memory_space<vmem>>) dst(%dma_wait3A_64 : memref<10240x128xf32, #tpu.memory_space<vmem_shared>>)
        tpu.yield
      }) : () -> ()
    }
    %scan3A_43 = arith.constant 125 : i32
    %barrier3A_44 = arith.constant 0 : index
    tpu.barrier barrier_id(%barrier3A_44)
    %mul3A_45 = arith.constant 640 : i32
    %mul3A_46 = arith.muli %arg1, %mul3A_45 : i32
    %mul3A_47 = arith.constant 640 : i32
    %mul3A_48 = arith.muli %arg1, %mul3A_47 : i32
    "tpu.region"() ({
      %run_scoped3A = tpu.sem_alloc : memref<!tpu.dma_semaphore, #tpu.memory_space<semaphore_mem>>
      %dma_start3A = arith.constant 0 : i32
      %dma_start3A_49 = tpu.memref_slice %arg5[%arg0, %mul3A_48, %dma_start3A] : memref<2x10240x128xf32, #tpu.memory_space<hbm>> -> memref<1x640x128xf32, #tpu.memory_space<hbm>>
      %dma_start3A_50 = tpu.memref_squeeze %dma_start3A_49 : memref<1x640x128xf32, #tpu.memory_space<hbm>> -> memref<640x128xf32, #tpu.memory_space<hbm>>
      %dma_start3A_51 = arith.constant 0 : i32
      %dma_start3A_52 = tpu.memref_slice %arg9[%mul3A_46, %dma_start3A_51] : memref<10240x128xf32, #tpu.memory_space<vmem_shared>> -> memref<640x128xf32, #tpu.memory_space<vmem_shared>>
      tpu.enqueue_dma source(%dma_start3A_52 : memref<640x128xf32, #tpu.memory_space<vmem_shared>>) target(%dma_start3A_50 : memref<640x128xf32, #tpu.memory_space<hbm>>) target_semaphore(%run_scoped3A : memref<!tpu.dma_semaphore, #tpu.memory_space<semaphore_mem>>)
      %dma_wait3A = arith.constant 0 : i32
      %dma_wait3A_53 = tpu.memref_slice %arg5[%arg0, %mul3A_48, %dma_wait3A] : memref<2x10240x128xf32, #tpu.memory_space<hbm>> -> memref<1x640x128xf32, #tpu.memory_space<hbm>>
      %dma_wait3A_54 = tpu.memref_squeeze %dma_wait3A_53 : memref<1x640x128xf32, #tpu.memory_space<hbm>> -> memref<640x128xf32, #tpu.memory_space<hbm>>
      %dma_wait3A_55 = arith.constant 0 : i32
      %dma_wait3A_56 = tpu.memref_slice %arg9[%mul3A_46, %dma_wait3A_55] : memref<10240x128xf32, #tpu.memory_space<vmem_shared>> -> memref<640x128xf32, #tpu.memory_space<vmem_shared>>
      tpu.wait_dma2 semaphore(%run_scoped3A : memref<!tpu.dma_semaphore, #tpu.memory_space<semaphore_mem>>) src(%dma_wait3A_56 : memref<640x128xf32, #tpu.memory_space<vmem_shared>>) dst(%dma_wait3A_54 : memref<640x128xf32, #tpu.memory_space<hbm>>)
      tpu.yield
    }) : () -> ()
    return
  }
}

#map = affine_map<(d0, d1) -> (0, 0, 0)>
#map1 = affine_map<(d0, d1) -> (0, 0)>
module attributes {stable_mosaic.version = 14 : i64} {
  func.func @_deg_kernel(%arg0: i32, %arg1: i32, %arg2: memref<32x125x80xi32, #tpu.memory_space<hbm>>, %arg3: memref<2x10240xf32, #tpu.memory_space<hbm>>, %arg4: memref<125x80xi32, #tpu.memory_space<vmem>>, %arg5: memref<80xf32, #tpu.memory_space<vmem>>, %arg6: memref<640xf32, #tpu.memory_space<vmem>>, %arg7: memref<10240xf32, #tpu.memory_space<vmem_shared>>, %arg8: memref<!tpu.dma_semaphore, #tpu.memory_space<semaphore_mem>>) attributes {dimension_semantics = [#tpu.dimension_semantics<core_parallel>, #tpu.dimension_semantics<subcore_parallel>], iteration_bounds = array<i64: 2, 16>, scalar_prefetch = 0 : i64, scratch_operands = 5 : i64, tpu.core_type = #tpu.core_type<sc_vector_subcore>, window_params = [{transform_indices = #map}, {transform_indices = #map1}]} {
    %mul3A = arith.constant 16 : i32
    %mul3A_0 = arith.muli %arg0, %mul3A : i32
    %add3A = arith.addi %mul3A_0, %arg1 : i32
    %broadcast_in_dim3A = arith.constant 1.000000e+00 : f32
    %broadcast_in_dim3A_1 = vector.broadcast %broadcast_in_dim3A : f32 to vector<16xf32>
    %swap3A = arith.constant 0 : index
    %swap3A_2 = tpu.vector_load %arg5[%swap3A] {strides = array<i32>} : memref<80xf32, #tpu.memory_space<vmem>>, vector<16xf32>,
    %swap3A_3 = vector.shape_cast %swap3A_2 : vector<16xf32> to vector<16xf32>
    %swap3A_4 = vector.shape_cast %broadcast_in_dim3A_1 : vector<16xf32> to vector<16xf32>
    tpu.vector_store %arg5[%swap3A], %swap3A_4 {strides = array<i32>} : memref<80xf32, #tpu.memory_space<vmem>>, vector<16xf32>,
    %broadcast_in_dim3A_5 = arith.constant 1.000000e+00 : f32
    %broadcast_in_dim3A_6 = vector.broadcast %broadcast_in_dim3A_5 : f32 to vector<16xf32>
    %swap3A_7 = arith.constant 16 : index
    %swap3A_8 = tpu.vector_load %arg5[%swap3A_7] {strides = array<i32>} : memref<80xf32, #tpu.memory_space<vmem>>, vector<16xf32>,
    %swap3A_9 = vector.shape_cast %swap3A_8 : vector<16xf32> to vector<16xf32>
    %swap3A_10 = vector.shape_cast %broadcast_in_dim3A_6 : vector<16xf32> to vector<16xf32>
    tpu.vector_store %arg5[%swap3A_7], %swap3A_10 {strides = array<i32>} : memref<80xf32, #tpu.memory_space<vmem>>, vector<16xf32>,
    %broadcast_in_dim3A_11 = arith.constant 1.000000e+00 : f32
    %broadcast_in_dim3A_12 = vector.broadcast %broadcast_in_dim3A_11 : f32 to vector<16xf32>
    %swap3A_13 = arith.constant 32 : index
    %swap3A_14 = tpu.vector_load %arg5[%swap3A_13] {strides = array<i32>} : memref<80xf32, #tpu.memory_space<vmem>>, vector<16xf32>,
    %swap3A_15 = vector.shape_cast %swap3A_14 : vector<16xf32> to vector<16xf32>
    %swap3A_16 = vector.shape_cast %broadcast_in_dim3A_12 : vector<16xf32> to vector<16xf32>
    tpu.vector_store %arg5[%swap3A_13], %swap3A_16 {strides = array<i32>} : memref<80xf32, #tpu.memory_space<vmem>>, vector<16xf32>,
    %broadcast_in_dim3A_17 = arith.constant 1.000000e+00 : f32
    %broadcast_in_dim3A_18 = vector.broadcast %broadcast_in_dim3A_17 : f32 to vector<16xf32>
    %swap3A_19 = arith.constant 48 : index
    %swap3A_20 = tpu.vector_load %arg5[%swap3A_19] {strides = array<i32>} : memref<80xf32, #tpu.memory_space<vmem>>, vector<16xf32>,
    %swap3A_21 = vector.shape_cast %swap3A_20 : vector<16xf32> to vector<16xf32>
    %swap3A_22 = vector.shape_cast %broadcast_in_dim3A_18 : vector<16xf32> to vector<16xf32>
    tpu.vector_store %arg5[%swap3A_19], %swap3A_22 {strides = array<i32>} : memref<80xf32, #tpu.memory_space<vmem>>, vector<16xf32>,
    %broadcast_in_dim3A_23 = arith.constant 1.000000e+00 : f32
    %broadcast_in_dim3A_24 = vector.broadcast %broadcast_in_dim3A_23 : f32 to vector<16xf32>
    %swap3A_25 = arith.constant 64 : index
    %swap3A_26 = tpu.vector_load %arg5[%swap3A_25] {strides = array<i32>} : memref<80xf32, #tpu.memory_space<vmem>>, vector<16xf32>,
    %swap3A_27 = vector.shape_cast %swap3A_26 : vector<16xf32> to vector<16xf32>
    %swap3A_28 = vector.shape_cast %broadcast_in_dim3A_24 : vector<16xf32> to vector<16xf32>
    tpu.vector_store %arg5[%swap3A_25], %swap3A_28 {strides = array<i32>} : memref<80xf32, #tpu.memory_space<vmem>>, vector<16xf32>,
    %scan3A = arith.constant 0 : i32
    %scan3A_29 = arith.constant 0 : i32
    %scan3A_30 = arith.constant 40 : i32
    %scan3A_31 = arith.addi %scan3A_29, %scan3A_30 : i32
    %scan3A_32 = arith.constant 1 : i32
    scf.for %scan3A_47 = %scan3A_29 to %scan3A_31 step %scan3A_32  : i32 {
      %broadcast_in_dim3A_48 = arith.constant 0.000000e+00 : f32
      %broadcast_in_dim3A_49 = vector.broadcast %broadcast_in_dim3A_48 : f32 to vector<16xf32>
      %mul3A_50 = arith.constant 16 : i32
      %mul3A_51 = arith.muli %scan3A_47, %mul3A_50 : i32
      %swap3A_52 = arith.index_cast %mul3A_51 : i32 to index
      %swap3A_53 = tpu.vector_load %arg6[%swap3A_52] {strides = array<i32>} : memref<640xf32, #tpu.memory_space<vmem>>, vector<16xf32>,
      %swap3A_54 = vector.shape_cast %swap3A_53 : vector<16xf32> to vector<16xf32>
      %swap3A_55 = vector.shape_cast %broadcast_in_dim3A_49 : vector<16xf32> to vector<16xf32>
      tpu.vector_store %arg6[%swap3A_52], %swap3A_55 {strides = array<i32>} : memref<640xf32, #tpu.memory_space<vmem>>, vector<16xf32>,
    }
    %scan3A_33 = arith.constant 40 : i32
    %mul3A_34 = arith.constant 640 : i32
    %mul3A_35 = arith.muli %arg1, %mul3A_34 : i32
    "tpu.region"() ({
      %run_scoped3A = tpu.sem_alloc : memref<!tpu.dma_semaphore, #tpu.memory_space<semaphore_mem>>
      %dma_start3A = tpu.memref_slice %arg7[%mul3A_35] : memref<10240xf32, #tpu.memory_space<vmem_shared>> -> memref<640xf32, #tpu.memory_space<vmem_shared>>
      %dma_start3A_47 = tpu.memref_slice %arg7[%mul3A_35] : memref<10240xf32, #tpu.memory_space<vmem_shared>> -> memref<640xf32, #tpu.memory_space<vmem_shared>>
      tpu.enqueue_dma source(%arg6 : memref<640xf32, #tpu.memory_space<vmem>>) target(%dma_start3A_47 : memref<640xf32, #tpu.memory_space<vmem_shared>>) target_semaphore(%run_scoped3A : memref<!tpu.dma_semaphore, #tpu.memory_space<semaphore_mem>>)
      %dma_wait3A = tpu.memref_slice %arg7[%mul3A_35] : memref<10240xf32, #tpu.memory_space<vmem_shared>> -> memref<640xf32, #tpu.memory_space<vmem_shared>>
      %dma_wait3A_48 = tpu.memref_slice %arg7[%mul3A_35] : memref<10240xf32, #tpu.memory_space<vmem_shared>> -> memref<640xf32, #tpu.memory_space<vmem_shared>>
      tpu.wait_dma2 semaphore(%run_scoped3A : memref<!tpu.dma_semaphore, #tpu.memory_space<semaphore_mem>>) src(%arg6 : memref<640xf32, #tpu.memory_space<vmem>>) dst(%dma_wait3A_48 : memref<640xf32, #tpu.memory_space<vmem_shared>>)
      tpu.yield
    }) : () -> ()
    "tpu.region"() ({
      %run_scoped3A = tpu.sem_alloc : memref<!tpu.dma_semaphore, #tpu.memory_space<semaphore_mem>>
      %dma_start3A = arith.constant 0 : i32
      %dma_start3A_47 = arith.constant 0 : i32
      %dma_start3A_48 = tpu.memref_slice %arg2[%add3A, %dma_start3A, %dma_start3A_47] : memref<32x125x80xi32, #tpu.memory_space<hbm>> -> memref<1x125x80xi32, #tpu.memory_space<hbm>>
      %dma_start3A_49 = tpu.memref_squeeze %dma_start3A_48 : memref<1x125x80xi32, #tpu.memory_space<hbm>> -> memref<125x80xi32, #tpu.memory_space<hbm>>
      %dma_start3A_50 = arith.constant 0 : i32
      %dma_start3A_51 = arith.constant 0 : i32
      %dma_start3A_52 = tpu.memref_slice %arg2[%add3A, %dma_start3A_50, %dma_start3A_51] : memref<32x125x80xi32, #tpu.memory_space<hbm>> -> memref<1x125x80xi32, #tpu.memory_space<hbm>>
      %dma_start3A_53 = tpu.memref_squeeze %dma_start3A_52 : memref<1x125x80xi32, #tpu.memory_space<hbm>> -> memref<125x80xi32, #tpu.memory_space<hbm>>
      tpu.enqueue_dma source(%dma_start3A_53 : memref<125x80xi32, #tpu.memory_space<hbm>>) target(%arg4 : memref<125x80xi32, #tpu.memory_space<vmem>>) target_semaphore(%run_scoped3A : memref<!tpu.dma_semaphore, #tpu.memory_space<semaphore_mem>>)
      %dma_wait3A = arith.constant 0 : i32
      %dma_wait3A_54 = arith.constant 0 : i32
      %dma_wait3A_55 = tpu.memref_slice %arg2[%add3A, %dma_wait3A, %dma_wait3A_54] : memref<32x125x80xi32, #tpu.memory_space<hbm>> -> memref<1x125x80xi32, #tpu.memory_space<hbm>>
      %dma_wait3A_56 = tpu.memref_squeeze %dma_wait3A_55 : memref<1x125x80xi32, #tpu.memory_space<hbm>> -> memref<125x80xi32, #tpu.memory_space<hbm>>
      %dma_wait3A_57 = arith.constant 0 : i32
      %dma_wait3A_58 = arith.constant 0 : i32
      %dma_wait3A_59 = tpu.memref_slice %arg2[%add3A, %dma_wait3A_57, %dma_wait3A_58] : memref<32x125x80xi32, #tpu.memory_space<hbm>> -> memref<1x125x80xi32, #tpu.memory_space<hbm>>
      %dma_wait3A_60 = tpu.memref_squeeze %dma_wait3A_59 : memref<1x125x80xi32, #tpu.memory_space<hbm>> -> memref<125x80xi32, #tpu.memory_space<hbm>>
      tpu.wait_dma2 semaphore(%run_scoped3A : memref<!tpu.dma_semaphore, #tpu.memory_space<semaphore_mem>>) src(%dma_wait3A_60 : memref<125x80xi32, #tpu.memory_space<hbm>>) dst(%arg4 : memref<125x80xi32, #tpu.memory_space<vmem>>)
      tpu.yield
    }) : () -> ()
    %barrier3A = arith.constant 0 : index
    tpu.barrier barrier_id(%barrier3A)
    %scan3A_36 = arith.constant 0 : i32
    %scan3A_37 = arith.constant 0 : i32
    %scan3A_38 = arith.constant 5 : i32
    %scan3A_39 = arith.addi %scan3A_37, %scan3A_38 : i32
    %scan3A_40 = arith.constant 1 : i32
    scf.for %scan3A_47 = %scan3A_37 to %scan3A_39 step %scan3A_40  : i32 {
      %scan3A_48 = arith.constant 0 : i32
      %scan3A_49 = arith.constant 0 : i32
      %scan3A_50 = arith.constant 25 : i32
      %scan3A_51 = arith.addi %scan3A_49, %scan3A_50 : i32
      %scan3A_52 = arith.constant 1 : i32
      scf.for %scan3A_60 = %scan3A_49 to %scan3A_51 step %scan3A_52  : i32 {
        %mul3A_61 = arith.constant 25 : i32
        %mul3A_62 = arith.muli %scan3A_47, %mul3A_61 : i32
        %add3A_63 = arith.addi %mul3A_62, %scan3A_60 : i32
        %dma_start3A = arith.constant 0 : i32
        %dma_start3A_64 = tpu.memref_slice %arg4[%add3A_63, %dma_start3A] : memref<125x80xi32, #tpu.memory_space<vmem>> -> memref<1x80xi32, #tpu.memory_space<vmem>>
        %dma_start3A_65 = tpu.memref_squeeze %dma_start3A_64 : memref<1x80xi32, #tpu.memory_space<vmem>> -> memref<80xi32, #tpu.memory_space<vmem>>
        %dma_start3A_66 = arith.constant 0 : i32
        %dma_start3A_67 = tpu.memref_slice %arg7[%dma_start3A_66] : memref<10240xf32, #tpu.memory_space<vmem_shared>> -> memref<10240xf32, #tpu.memory_space<vmem_shared>>
        tpu.enqueue_indirect_dma source(%arg5 : memref<80xf32, #tpu.memory_space<vmem>>) target(%dma_start3A_67 : memref<10240xf32, #tpu.memory_space<vmem_shared>>) offsets(%dma_start3A_65 : memref<80xi32, #tpu.memory_space<vmem>>) semaphore(%arg8 : memref<!tpu.dma_semaphore, #tpu.memory_space<semaphore_mem>>) {add = true}
      }
      %scan3A_53 = arith.constant 25 : i32
      %scan3A_54 = arith.constant 0 : i32
      %scan3A_55 = arith.constant 0 : i32
      %scan3A_56 = arith.constant 25 : i32
      %scan3A_57 = arith.addi %scan3A_55, %scan3A_56 : i32
      %scan3A_58 = arith.constant 1 : i32
      scf.for %scan3A_60 = %scan3A_55 to %scan3A_57 step %scan3A_58  : i32 {
        %dma_wait3A = arith.constant 0 : i32
        %dma_wait3A_61 = arith.constant 0 : i32
        %dma_wait3A_62 = tpu.memref_slice %arg4[%dma_wait3A, %dma_wait3A_61] : memref<125x80xi32, #tpu.memory_space<vmem>> -> memref<1x80xi32, #tpu.memory_space<vmem>>
        %dma_wait3A_63 = tpu.memref_squeeze %dma_wait3A_62 : memref<1x80xi32, #tpu.memory_space<vmem>> -> memref<80xi32, #tpu.memory_space<vmem>>
        %dma_wait3A_64 = arith.constant 0 : i32
        %dma_wait3A_65 = tpu.memref_slice %arg7[%dma_wait3A_64] : memref<10240xf32, #tpu.memory_space<vmem_shared>> -> memref<10240xf32, #tpu.memory_space<vmem_shared>>
        tpu.wait_indirect_dma semaphore(%arg8 : memref<!tpu.dma_semaphore, #tpu.memory_space<semaphore_mem>>) src(%arg5 : memref<80xf32, #tpu.memory_space<vmem>>) dst(%dma_wait3A_65 : memref<10240xf32, #tpu.memory_space<vmem_shared>>)
      }
      %scan3A_59 = arith.constant 25 : i32
    }
    %scan3A_41 = arith.constant 5 : i32
    %barrier3A_42 = arith.constant 0 : index
    tpu.barrier barrier_id(%barrier3A_42)
    %mul3A_43 = arith.constant 640 : i32
    %mul3A_44 = arith.muli %arg1, %mul3A_43 : i32
    %mul3A_45 = arith.constant 640 : i32
    %mul3A_46 = arith.muli %arg1, %mul3A_45 : i32
    "tpu.region"() ({
      %run_scoped3A = tpu.sem_alloc : memref<!tpu.dma_semaphore, #tpu.memory_space<semaphore_mem>>
      %dma_start3A = tpu.memref_slice %arg3[%arg0, %mul3A_46] : memref<2x10240xf32, #tpu.memory_space<hbm>> -> memref<1x640xf32, #tpu.memory_space<hbm>>
      %dma_start3A_47 = tpu.memref_squeeze %dma_start3A : memref<1x640xf32, #tpu.memory_space<hbm>> -> memref<640xf32, #tpu.memory_space<hbm>>
      %dma_start3A_48 = tpu.memref_slice %arg7[%mul3A_44] : memref<10240xf32, #tpu.memory_space<vmem_shared>> -> memref<640xf32, #tpu.memory_space<vmem_shared>>
      tpu.enqueue_dma source(%dma_start3A_48 : memref<640xf32, #tpu.memory_space<vmem_shared>>) target(%dma_start3A_47 : memref<640xf32, #tpu.memory_space<hbm>>) target_semaphore(%run_scoped3A : memref<!tpu.dma_semaphore, #tpu.memory_space<semaphore_mem>>)
      %dma_wait3A = tpu.memref_slice %arg3[%arg0, %mul3A_46] : memref<2x10240xf32, #tpu.memory_space<hbm>> -> memref<1x640xf32, #tpu.memory_space<hbm>>
      %dma_wait3A_49 = tpu.memref_squeeze %dma_wait3A : memref<1x640xf32, #tpu.memory_space<hbm>> -> memref<640xf32, #tpu.memory_space<hbm>>
      %dma_wait3A_50 = tpu.memref_slice %arg7[%mul3A_44] : memref<10240xf32, #tpu.memory_space<vmem_shared>> -> memref<640xf32, #tpu.memory_space<vmem_shared>>
      tpu.wait_dma2 semaphore(%run_scoped3A : memref<!tpu.dma_semaphore, #tpu.memory_space<semaphore_mem>>) src(%dma_wait3A_50 : memref<640xf32, #tpu.memory_space<vmem_shared>>) dst(%dma_wait3A_49 : memref<640xf32, #tpu.memory_space<hbm>>)
      tpu.yield
    }) : () -> ()
    return
  }
}

module attributes {stable_mosaic.version = 14 : i64} {
  func.func @_xw_body(%arg0: i32, %arg1: memref<2x1000x1xf32, #tpu.memory_space<vmem>>, %arg2: memref<1000x128xf32, #tpu.memory_space<vmem>>, %arg3: memref<128x128xf32, #tpu.memory_space<vmem>>, %arg4: memref<1000x128xf32, #tpu.memory_space<vmem>>) attributes {dimension_semantics = [#tpu.dimension_semantics<arbitrary>], iteration_bounds = array<i64: 10>, scalar_prefetch = 0 : i64, scratch_operands = 0 : i64, tpu.core_type = #tpu.core_type<tc>, window_params = [{transform_indices = @transform_0, window_bounds = array<i64: 2, 1000, 1>}, {transform_indices = @transform_1, window_bounds = array<i64: 1000, 128>}, {pipeline_mode = #tpu.pipeline_mode<synchronous>, transform_indices = @transform_2, window_bounds = array<i64: 128, 128>}, {transform_indices = @transform_3, window_bounds = array<i64: 1000, 128>}]} {
    %get3A = arith.constant 0 : index
    %get3A_0 = arith.constant 0 : index
    %get3A_1 = arith.constant 0 : index
    %get3A_2 = vector.load %arg1[%get3A, %get3A_0, %get3A_1] : memref<2x1000x1xf32, #tpu.memory_space<vmem>>, vector<1x1000x1xf32>
    %get3A_3 = vector.shape_cast %get3A_2 : vector<1x1000x1xf32> to vector<1000x1xf32>
    %get3A_4 = arith.constant 1 : index
    %get3A_5 = arith.constant 0 : index
    %get3A_6 = arith.constant 0 : index
    %get3A_7 = vector.load %arg1[%get3A_4, %get3A_5, %get3A_6] : memref<2x1000x1xf32, #tpu.memory_space<vmem>>, vector<1x1000x1xf32>
    %get3A_8 = vector.shape_cast %get3A_7 : vector<1x1000x1xf32> to vector<1000x1xf32>
    %add3A = arith.addf %get3A_3, %get3A_8 : vector<1000x1xf32>
    %add3A_9 = arith.constant 1.000000e+00 : f32
    %add3A_10 = vector.broadcast %add3A_9 : f32 to vector<1000x1xf32>
    %add3A_11 = arith.addf %add3A, %add3A_10 : vector<1000x1xf32>
    %rsqrt3A = math.rsqrt %add3A_11 : vector<1000x1xf32>
    %get3A_12 = arith.constant 0 : index
    %get3A_13 = arith.constant 0 : index
    %get3A_14 = vector.load %arg2[%get3A_12, %get3A_13] : memref<1000x128xf32, #tpu.memory_space<vmem>>, vector<1000x128xf32>
    %get3A_15 = arith.constant 0 : index
    %get3A_16 = arith.constant 0 : index
    %get3A_17 = vector.load %arg3[%get3A_15, %get3A_16] : memref<128x128xf32, #tpu.memory_space<vmem>>, vector<128x128xf32>
    %dot_general3A = arith.constant dense<0.000000e+00> : vector<1000x128xf32>
    %dot_general3A_18 = tpu.matmul %get3A_14, %get3A_17, %dot_general3A {dimension_numbers = #tpu.dot_dimension_numbers<[1], [0], [0], [1], [0, 0, 1, 1], [], []>, precision = #tpu.contract_precision<fp32>, transpose_lhs_hint = false} : vector<1000x128xf32>, vector<128x128xf32>, vector<1000x128xf32> -> vector<1000x128xf32>
    %mul3A = vector.broadcast %rsqrt3A : vector<1000x1xf32> to vector<1000x128xf32>
    %mul3A_19 = arith.mulf %dot_general3A_18, %mul3A : vector<1000x128xf32>
    %swap3A = arith.constant 0 : index
    %swap3A_20 = arith.constant 0 : index
    %swap3A_21 = vector.load %arg4[%swap3A, %swap3A_20] : memref<1000x128xf32, #tpu.memory_space<vmem>>, vector<1000x128xf32>
    tpu.vector_store %arg4[%swap3A, %swap3A_20], %mul3A_19 {strides = array<i32>} : memref<1000x128xf32, #tpu.memory_space<vmem>>, vector<1000x128xf32>,
    return
  }
  func.func @transform_0(%arg0: i32) -> (i32, i32, i32) {
    %c0_i32 = arith.constant 0 : i32
    %c0_i32_0 = arith.constant 0 : i32
    %c0_i32_1 = arith.constant 0 : i32
    return %c0_i32, %arg0, %c0_i32_0 : i32, i32, i32
  }
  func.func @transform_1(%arg0: i32) -> (i32, i32) {
    %c0_i32 = arith.constant 0 : i32
    %c0_i32_0 = arith.constant 0 : i32
    return %arg0, %c0_i32 : i32, i32
  }
  func.func @transform_2(%arg0: i32) -> (i32, i32) {
    %c0_i32 = arith.constant 0 : i32
    %c0_i32_0 = arith.constant 0 : i32
    %c0_i32_1 = arith.constant 0 : i32
    return %c0_i32, %c0_i32_0 : i32, i32
  }
  func.func @transform_3(%arg0: i32) -> (i32, i32) {
    %c0_i32 = arith.constant 0 : i32
    %c0_i32_0 = arith.constant 0 : i32
    return %arg0, %c0_i32 : i32, i32
  }
}

module attributes {stable_mosaic.version = 14 : i64} {
  func.func @_mid_body(%arg0: i32, %arg1: memref<2x1000x1xf32, #tpu.memory_space<vmem>>, %arg2: memref<2x1000x128xf32, #tpu.memory_space<vmem>>, %arg3: memref<1000x128xf32, #tpu.memory_space<vmem>>, %arg4: memref<1x128xf32, #tpu.memory_space<vmem>>, %arg5: memref<128x128xf32, #tpu.memory_space<vmem>>, %arg6: memref<1000x128xf32, #tpu.memory_space<vmem>>) attributes {dimension_semantics = [#tpu.dimension_semantics<arbitrary>], iteration_bounds = array<i64: 10>, scalar_prefetch = 0 : i64, scratch_operands = 0 : i64, tpu.core_type = #tpu.core_type<tc>, window_params = [{transform_indices = @transform_0, window_bounds = array<i64: 2, 1000, 1>}, {transform_indices = @transform_1, window_bounds = array<i64: 2, 1000, 128>}, {transform_indices = @transform_2, window_bounds = array<i64: 1000, 128>}, {pipeline_mode = #tpu.pipeline_mode<synchronous>, transform_indices = @transform_3, window_bounds = array<i64: 1, 128>}, {pipeline_mode = #tpu.pipeline_mode<synchronous>, transform_indices = @transform_4, window_bounds = array<i64: 128, 128>}, {transform_indices = @transform_5, window_bounds = array<i64: 1000, 128>}]} {
    %get3A = arith.constant 0 : index
    %get3A_0 = arith.constant 0 : index
    %get3A_1 = arith.constant 0 : index
    %get3A_2 = vector.load %arg1[%get3A, %get3A_0, %get3A_1] : memref<2x1000x1xf32, #tpu.memory_space<vmem>>, vector<1x1000x1xf32>
    %get3A_3 = vector.shape_cast %get3A_2 : vector<1x1000x1xf32> to vector<1000x1xf32>
    %get3A_4 = arith.constant 1 : index
    %get3A_5 = arith.constant 0 : index
    %get3A_6 = arith.constant 0 : index
    %get3A_7 = vector.load %arg1[%get3A_4, %get3A_5, %get3A_6] : memref<2x1000x1xf32, #tpu.memory_space<vmem>>, vector<1x1000x1xf32>
    %get3A_8 = vector.shape_cast %get3A_7 : vector<1x1000x1xf32> to vector<1000x1xf32>
    %add3A = arith.addf %get3A_3, %get3A_8 : vector<1000x1xf32>
    %add3A_9 = arith.constant 1.000000e+00 : f32
    %add3A_10 = vector.broadcast %add3A_9 : f32 to vector<1000x1xf32>
    %add3A_11 = arith.addf %add3A, %add3A_10 : vector<1000x1xf32>
    %rsqrt3A = math.rsqrt %add3A_11 : vector<1000x1xf32>
    %get3A_12 = arith.constant 0 : index
    %get3A_13 = arith.constant 0 : index
    %get3A_14 = arith.constant 0 : index
    %get3A_15 = vector.load %arg2[%get3A_12, %get3A_13, %get3A_14] : memref<2x1000x128xf32, #tpu.memory_space<vmem>>, vector<1x1000x128xf32>
    %get3A_16 = vector.shape_cast %get3A_15 : vector<1x1000x128xf32> to vector<1000x128xf32>
    %get3A_17 = arith.constant 1 : index
    %get3A_18 = arith.constant 0 : index
    %get3A_19 = arith.constant 0 : index
    %get3A_20 = vector.load %arg2[%get3A_17, %get3A_18, %get3A_19] : memref<2x1000x128xf32, #tpu.memory_space<vmem>>, vector<1x1000x128xf32>
    %get3A_21 = vector.shape_cast %get3A_20 : vector<1x1000x128xf32> to vector<1000x128xf32>
    %add3A_22 = arith.addf %get3A_16, %get3A_21 : vector<1000x128xf32>
    %get3A_23 = arith.constant 0 : index
    %get3A_24 = arith.constant 0 : index
    %get3A_25 = vector.load %arg3[%get3A_23, %get3A_24] : memref<1000x128xf32, #tpu.memory_space<vmem>>, vector<1000x128xf32>
    %add3A_26 = arith.addf %add3A_22, %get3A_25 : vector<1000x128xf32>
    %mul3A = vector.broadcast %rsqrt3A : vector<1000x1xf32> to vector<1000x128xf32>
    %mul3A_27 = arith.mulf %add3A_26, %mul3A : vector<1000x128xf32>
    %get3A_28 = arith.constant 0 : index
    %get3A_29 = arith.constant 0 : index
    %get3A_30 = vector.load %arg4[%get3A_28, %get3A_29] : memref<1x128xf32, #tpu.memory_space<vmem>>, vector<1x128xf32>
    %add3A_31 = vector.broadcast %get3A_30 : vector<1x128xf32> to vector<1000x128xf32>
    %add3A_32 = arith.addf %mul3A_27, %add3A_31 : vector<1000x128xf32>
    %max3A = arith.constant 0.000000e+00 : f32
    %max3A_33 = vector.broadcast %max3A : f32 to vector<1000x128xf32>
    %max3A_34 = arith.maximumf %add3A_32, %max3A_33 : vector<1000x128xf32>
    %get3A_35 = arith.constant 0 : index
    %get3A_36 = arith.constant 0 : index
    %get3A_37 = vector.load %arg5[%get3A_35, %get3A_36] : memref<128x128xf32, #tpu.memory_space<vmem>>, vector<128x128xf32>
    %dot_general3A = arith.constant dense<0.000000e+00> : vector<1000x128xf32>
    %dot_general3A_38 = tpu.matmul %max3A_34, %get3A_37, %dot_general3A {dimension_numbers = #tpu.dot_dimension_numbers<[1], [0], [0], [1], [0, 0, 1, 1], [], []>, precision = #tpu.contract_precision<fp32>, transpose_lhs_hint = false} : vector<1000x128xf32>, vector<128x128xf32>, vector<1000x128xf32> -> vector<1000x128xf32>
    %mul3A_39 = vector.broadcast %rsqrt3A : vector<1000x1xf32> to vector<1000x128xf32>
    %mul3A_40 = arith.mulf %dot_general3A_38, %mul3A_39 : vector<1000x128xf32>
    %swap3A = arith.constant 0 : index
    %swap3A_41 = arith.constant 0 : index
    %swap3A_42 = vector.load %arg6[%swap3A, %swap3A_41] : memref<1000x128xf32, #tpu.memory_space<vmem>>, vector<1000x128xf32>
    tpu.vector_store %arg6[%swap3A, %swap3A_41], %mul3A_40 {strides = array<i32>} : memref<1000x128xf32, #tpu.memory_space<vmem>>, vector<1000x128xf32>,
    return
  }
  func.func @transform_0(%arg0: i32) -> (i32, i32, i32) {
    %c0_i32 = arith.constant 0 : i32
    %c0_i32_0 = arith.constant 0 : i32
    %c0_i32_1 = arith.constant 0 : i32
    return %c0_i32, %arg0, %c0_i32_0 : i32, i32, i32
  }
  func.func @transform_1(%arg0: i32) -> (i32, i32, i32) {
    %c0_i32 = arith.constant 0 : i32
    %c0_i32_0 = arith.constant 0 : i32
    %c0_i32_1 = arith.constant 0 : i32
    return %c0_i32, %arg0, %c0_i32_0 : i32, i32, i32
  }
  func.func @transform_2(%arg0: i32) -> (i32, i32) {
    %c0_i32 = arith.constant 0 : i32
    %c0_i32_0 = arith.constant 0 : i32
    return %arg0, %c0_i32 : i32, i32
  }
  func.func @transform_3(%arg0: i32) -> (i32, i32) {
    %c0_i32 = arith.constant 0 : i32
    %c0_i32_0 = arith.constant 0 : i32
    %c0_i32_1 = arith.constant 0 : i32
    return %c0_i32, %c0_i32_0 : i32, i32
  }
  func.func @transform_4(%arg0: i32) -> (i32, i32) {
    %c0_i32 = arith.constant 0 : i32
    %c0_i32_0 = arith.constant 0 : i32
    %c0_i32_1 = arith.constant 0 : i32
    return %c0_i32, %c0_i32_0 : i32, i32
  }
  func.func @transform_5(%arg0: i32) -> (i32, i32) {
    %c0_i32 = arith.constant 0 : i32
    %c0_i32_0 = arith.constant 0 : i32
    return %arg0, %c0_i32 : i32, i32
  }
}

module attributes {stable_mosaic.version = 14 : i64} {
  func.func @_fin_body(%arg0: i32, %arg1: memref<2x1000x1xf32, #tpu.memory_space<vmem>>, %arg2: memref<2x1000x128xf32, #tpu.memory_space<vmem>>, %arg3: memref<1000x128xf32, #tpu.memory_space<vmem>>, %arg4: memref<1x128xf32, #tpu.memory_space<vmem>>, %arg5: memref<1000x128xf32, #tpu.memory_space<vmem>>) attributes {dimension_semantics = [#tpu.dimension_semantics<arbitrary>], iteration_bounds = array<i64: 10>, scalar_prefetch = 0 : i64, scratch_operands = 0 : i64, tpu.core_type = #tpu.core_type<tc>, window_params = [{transform_indices = @transform_0, window_bounds = array<i64: 2, 1000, 1>}, {transform_indices = @transform_1, window_bounds = array<i64: 2, 1000, 128>}, {transform_indices = @transform_2, window_bounds = array<i64: 1000, 128>}, {pipeline_mode = #tpu.pipeline_mode<synchronous>, transform_indices = @transform_3, window_bounds = array<i64: 1, 128>}, {transform_indices = @transform_4, window_bounds = array<i64: 1000, 128>}]} {
    %get3A = arith.constant 0 : index
    %get3A_0 = arith.constant 0 : index
    %get3A_1 = arith.constant 0 : index
    %get3A_2 = vector.load %arg1[%get3A, %get3A_0, %get3A_1] : memref<2x1000x1xf32, #tpu.memory_space<vmem>>, vector<1x1000x1xf32>
    %get3A_3 = vector.shape_cast %get3A_2 : vector<1x1000x1xf32> to vector<1000x1xf32>
    %get3A_4 = arith.constant 1 : index
    %get3A_5 = arith.constant 0 : index
    %get3A_6 = arith.constant 0 : index
    %get3A_7 = vector.load %arg1[%get3A_4, %get3A_5, %get3A_6] : memref<2x1000x1xf32, #tpu.memory_space<vmem>>, vector<1x1000x1xf32>
    %get3A_8 = vector.shape_cast %get3A_7 : vector<1x1000x1xf32> to vector<1000x1xf32>
    %add3A = arith.addf %get3A_3, %get3A_8 : vector<1000x1xf32>
    %add3A_9 = arith.constant 1.000000e+00 : f32
    %add3A_10 = vector.broadcast %add3A_9 : f32 to vector<1000x1xf32>
    %add3A_11 = arith.addf %add3A, %add3A_10 : vector<1000x1xf32>
    %rsqrt3A = math.rsqrt %add3A_11 : vector<1000x1xf32>
    %get3A_12 = arith.constant 0 : index
    %get3A_13 = arith.constant 0 : index
    %get3A_14 = arith.constant 0 : index
    %get3A_15 = vector.load %arg2[%get3A_12, %get3A_13, %get3A_14] : memref<2x1000x128xf32, #tpu.memory_space<vmem>>, vector<1x1000x128xf32>
    %get3A_16 = vector.shape_cast %get3A_15 : vector<1x1000x128xf32> to vector<1000x128xf32>
    %get3A_17 = arith.constant 1 : index
    %get3A_18 = arith.constant 0 : index
    %get3A_19 = arith.constant 0 : index
    %get3A_20 = vector.load %arg2[%get3A_17, %get3A_18, %get3A_19] : memref<2x1000x128xf32, #tpu.memory_space<vmem>>, vector<1x1000x128xf32>
    %get3A_21 = vector.shape_cast %get3A_20 : vector<1x1000x128xf32> to vector<1000x128xf32>
    %add3A_22 = arith.addf %get3A_16, %get3A_21 : vector<1000x128xf32>
    %get3A_23 = arith.constant 0 : index
    %get3A_24 = arith.constant 0 : index
    %get3A_25 = vector.load %arg3[%get3A_23, %get3A_24] : memref<1000x128xf32, #tpu.memory_space<vmem>>, vector<1000x128xf32>
    %add3A_26 = arith.addf %add3A_22, %get3A_25 : vector<1000x128xf32>
    %mul3A = vector.broadcast %rsqrt3A : vector<1000x1xf32> to vector<1000x128xf32>
    %mul3A_27 = arith.mulf %add3A_26, %mul3A : vector<1000x128xf32>
    %get3A_28 = arith.constant 0 : index
    %get3A_29 = arith.constant 0 : index
    %get3A_30 = vector.load %arg4[%get3A_28, %get3A_29] : memref<1x128xf32, #tpu.memory_space<vmem>>, vector<1x128xf32>
    %add3A_31 = vector.broadcast %get3A_30 : vector<1x128xf32> to vector<1000x128xf32>
    %add3A_32 = arith.addf %mul3A_27, %add3A_31 : vector<1000x128xf32>
    %swap3A = arith.constant 0 : index
    %swap3A_33 = arith.constant 0 : index
    %swap3A_34 = vector.load %arg5[%swap3A, %swap3A_33] : memref<1000x128xf32, #tpu.memory_space<vmem>>, vector<1000x128xf32>
    tpu.vector_store %arg5[%swap3A, %swap3A_33], %add3A_32 {strides = array<i32>} : memref<1000x128xf32, #tpu.memory_space<vmem>>, vector<1000x128xf32>,
    return
  }
  func.func @transform_0(%arg0: i32) -> (i32, i32, i32) {
    %c0_i32 = arith.constant 0 : i32
    %c0_i32_0 = arith.constant 0 : i32
    %c0_i32_1 = arith.constant 0 : i32
    return %c0_i32, %arg0, %c0_i32_0 : i32, i32, i32
  }
  func.func @transform_1(%arg0: i32) -> (i32, i32, i32) {
    %c0_i32 = arith.constant 0 : i32
    %c0_i32_0 = arith.constant 0 : i32
    %c0_i32_1 = arith.constant 0 : i32
    return %c0_i32, %arg0, %c0_i32_0 : i32, i32, i32
  }
  func.func @transform_2(%arg0: i32) -> (i32, i32) {
    %c0_i32 = arith.constant 0 : i32
    %c0_i32_0 = arith.constant 0 : i32
    return %arg0, %c0_i32 : i32, i32
  }
  func.func @transform_3(%arg0: i32) -> (i32, i32) {
    %c0_i32 = arith.constant 0 : i32
    %c0_i32_0 = arith.constant 0 : i32
    %c0_i32_1 = arith.constant 0 : i32
    return %c0_i32, %c0_i32_0 : i32, i32
  }
  func.func @transform_4(%arg0: i32) -> (i32, i32) {
    %c0_i32 = arith.constant 0 : i32
    %c0_i32_0 = arith.constant 0 : i32
    return %arg0, %c0_i32 : i32, i32
  }
}

</mosaic_0001>

<sc_bundles>
// kernel: kernel.11.cloned.1.call-start
scs
__scs_entry_jumppad:
0x0: {  	(pc) =	sbr.rel $0x88, $3  }
0x1: {  	(tag) =	ssettag $0x0;
	lr =	simm.s32 $0x1  }
0x2: {  	[smem:$0x3F9B] =	sst lr;
	_ =	strace $0xD0000000  }
0x3: {  	_ = 	snop  }
0x4: {  	_ = 	snop  }
0x5: {  	_ = 	snop  }
0x6: {  	_ = 	snop  }
0x7: {  	_ = 	snop  }
__scs_overlays_trampoline_lowered:
0x8: {  	[smem:$0x3FAA] =	sst s0  }
0x9: {  	[smem:$0x3FAB] =	sst s1  }
0xa: {  	[smem:$0x3FAC] =	sst s2  }
0xb: {  	[smem:$0x3FAD] =	sst s3  }
0xc: {  	[smem:$0x3FAE] =	sst s4  }
0xd: {  	[smem:$0x3FAF] =	sst s5  }
0xe: {  	[smem:$0x3FB0] =	sst s6  }
0xf: {  	[smem:$0x3FB1] =	sst s7  }
0x10: {  	[smem:$0x3FB2] =	sst s8  }
0x11: {  	[smem:$0x3FB3] =	sst s9;
	s0 =	simm.s32 @!p0 $0x0  }
0x12: {  	s1 =	sld [smem:$0x3F99];
	s0 =	simm.s32 @p0 $0x1  }
0x13: {  	[smem:$0x3FB4] =	sst s0;
	s0 =	simm.s32 @!p1 $0x0  }
0x14: {  	s2 =	sld [smem:$0x3F98];
	s0 =	simm.s32 @p1 $0x1  }
0x15: {  	[smem:$0x3FB5] =	sst s0;
	s0 =	simm.s32 @!p2 $0x0  }
0x16: {  	s3 =	sld [smem:$0x3FDB];
	s0 =	simm.s32 @p2 $0x1  }
0x17: {  	s4 =	simm.s32 $0x1BF5;
	[smem:$0x3FB7] =	sst s0  }
0x18: {  	s0 =	sld [smem:$0x3F9A];
	_ =	swait.ge [sflag:s4], $0x0  }
0x19: {  	s7 =	sld [smem:$0x3F9B]  }
0x1a: {  	s8 =	sadd.s32 $0xFFFFE003, lr  }
0x1b: {  	s9 =	sadd.s32 $0xFFFFFEF7, lr;
	s5 =	simm.s32 $0xFFFFFFFF;
	p2 =	slt.u32 s8, $0xFFFFF086  }
0x1c: {  	p1 =	slt.u32 s9, $0xF7A;
	s5 =	simm.s32 @!p2 $0x0  }
0x1d: {  	s5 =	simm.s32 @p1 $0x1;
	p0 =	seq.s32 s7, s2  }
0x1e: {  	s7 =	smul.u32 @!p0 $0xF7A, s2;
	p2 =	seq.s32 @!p0 s5, $0x0  }
0x1f: {  	s9 =	smul.u32 $0xF7A, s1;
	s8 =	simm.s32 @!p0 $0x1BF5;
	p2 =	por !p2, p0  }
0x20: {  	[sflag:s8] =	ssyncset.s32 @!p0 $0xFFFFF086;
	s6 =	sadd.s32 @!p0 s3, s7;
	s7 =	simm.s32 @!p0 $0x108  }
0x21: {  	s3 =	sadd.s32 s3, s9;
	s6 =	sadd.s32 @!p0 $0x88, s6;
	s7 =	simm.s32 @p2 $0x1082  }
0x22: {  	[simem:s7], [sflag:s8] =	dma.local @!p0 [hbm:s6], $0xF7A  }
0x23: {  	s9 =	sor.u32 $0xD0000000, s2;
	s6 =	simm.s32 $0x108;
	_ =	swait.ge @!p0 [sflag:s8], $0x0  }
0x24: {  	s3 =	sadd.s32 $0x88, s3;
	s6 =	simm.s32 @!p1 $0x1082;
	[sflag:s4] =	ssyncset.s32 $0xFFFFF086  }
0x25: {  	[simem:s6], [sflag:s4] =	dma.local [hbm:s3], $0xF7A  }
0x26: {  	[smem:$0x3F9B] =	sst s1;
	(tag) =	ssettag s2;
	_ =	strace s9  }
0x27: {  	s1 =	sld [smem:$0x3FAB]  }
0x28: {  	s2 =	sld [smem:$0x3FAC]  }
0x29: {  	s4 =	sld [smem:$0x3FAE]  }
0x2a: {  	p0 =	seq.s32 s5, $0x0;
	s5 =	sld [smem:$0x3FAF]  }
0x2b: {  	s6 =	sld [smem:$0x3FB0]  }
0x2c: {  	s7 =	sld [smem:$0x3FB1]  }
0x2d: {  	s3 =	simm.s32 $0x108;
	s8 =	sld [smem:$0x3FB2]  }
0x2e: {  	s3 =	simm.s32 @!p0 $0x1082;
	s9 =	sld [smem:$0x3FB3]  }
0x2f: {  	lr =	sadd.s32 s0, s3;
	s0 =	sld [smem:$0x3FAA]  }
0x30: {  	s3 =	sld [smem:$0x3FAD]  }
0x31: {  	[smem:$0x3FB6] =	sst s10  }
0x32: {  	s10 =	sld [smem:$0x3FB4];
	_ =	sdelay $0x3  }
0x33: {  	p0 =	seq.s32 s10, $0x1;
	s10 =	sld [smem:$0x3FB6];
	_ =	sdelay $0x3  }
0x34: {  	[smem:$0x3FB6] =	sst s10  }
0x35: {  	s10 =	sld [smem:$0x3FB5];
	_ =	sdelay $0x3  }
0x36: {  	p1 =	seq.s32 s10, $0x1;
	s10 =	sld [smem:$0x3FB6];
	_ =	sdelay $0x3  }
0x37: {  	[smem:$0x3FB6] =	sst s10  }
0x38: {  	s10 =	sld [smem:$0x3FB7]  }
0x39: {  	_ = 	snop;
	(pc) =	sbr.ind lr, $3  }
0x3a: {  	_ = 	snop  }
0x3b: {  	_ = 	snop  }
0x3c: {  	p2 =	seq.s32 s10, $0x1;
	s10 =	sld [smem:$0x3FB6]  }
0x3d: {  	_ =	shalt  }
0x3e: {  	_ =	shalt  }
0x3f: {  	_ =	shalt  }
0x40: {  	_ =	shalt  }
0x41: {  	_ =	shalt  }
0x42: {  	_ =	shalt  }
0x43: {  	_ =	shalt  }
0x44: {  	_ =	shalt  }
0x45: {  	_ =	shalt  }
0x46: {  	_ =	shalt  }
0x47: {  	_ =	shalt  }
0x48: {  	_ =	shalt  }
0x49: {  	_ =	shalt  }
0x4a: {  	_ =	shalt  }
0x4b: {  	_ =	shalt  }
0x4c: {  	_ =	shalt  }
0x4d: {  	_ =	shalt  }
0x4e: {  	_ =	shalt  }
0x4f: {  	_ =	shalt  }
0x50: {  	_ =	shalt  }
0x51: {  	_ =	shalt  }
0x52: {  	_ =	shalt  }
0x53: {  	_ =	shalt  }
0x54: {  	_ =	shalt  }
0x55: {  	_ =	shalt  }
0x56: {  	_ =	shalt  }
0x57: {  	_ =	shalt  }
0x58: {  	_ =	shalt  }
0x59: {  	_ =	shalt  }
0x5a: {  	_ =	shalt  }
0x5b: {  	_ =	shalt  }
0x5c: {  	_ =	shalt  }
0x5d: {  	_ =	shalt  }
0x5e: {  	_ =	shalt  }
0x5f: {  	_ =	shalt  }
0x60: {  	_ =	shalt  }
0x61: {  	_ =	shalt  }
0x62: {  	_ =	shalt  }
0x63: {  	_ =	shalt  }
0x64: {  	_ =	shalt  }
0x65: {  	_ =	shalt  }
0x66: {  	_ =	shalt  }
0x67: {  	_ =	shalt  }
0x68: {  	_ =	shalt  }
0x69: {  	_ =	shalt  }
0x6a: {  	_ =	shalt  }
0x6b: {  	_ =	shalt  }
0x6c: {  	_ =	shalt  }
0x6d: {  	_ =	shalt  }
0x6e: {  	_ =	shalt  }
0x6f: {  	_ =	shalt  }
0x70: {  	_ =	shalt  }
0x71: {  	_ =	shalt  }
0x72: {  	_ =	shalt  }
0x73: {  	_ =	shalt  }
0x74: {  	_ =	shalt  }
0x75: {  	_ =	shalt  }
0x76: {  	_ =	shalt  }
0x77: {  	_ =	shalt  }
0x78: {  	_ =	shalt  }
0x79: {  	_ =	shalt  }
0x7a: {  	_ =	shalt  }
0x7b: {  	_ =	shalt  }
0x7c: {  	_ =	shalt  }
0x7d: {  	_ =	shalt  }
0x7e: {  	_ =	shalt  }
0x7f: {  	_ =	shalt  }
0x80: {  	_ =	shalt  }
0x81: {  	_ =	shalt  }
0x82: {  	_ =	shalt  }
0x83: {  	_ =	shalt  }
0x84: {  	_ =	shalt  }
0x85: {  	_ =	shalt  }
0x86: {  	_ =	shalt  }
0x87: {  	_ =	shalt  }
.Lfunc_end0:
.L_simem_size_0:
called_computation.1_lowered:
.L_overlay_start_0:
0x88: {  	s2 =	sld [smem:$0x3FD9]  }
0x89: {  	s3 =	sld [smem:$0x3FFE];
	_ =	sdelay $0x1  }
0x8a: {  	s1 =	srdreg.scid  }
0x8b: {  	s0 =	sand.u32 $0x1, s1  }
0x8c: {  	s17 =	sshll.u32 s0, $0xA;
	s2 =	sadd.s32 s3, s2  }
0x8d: {  	s2 =	sadd.s32 s2, s17  }
0x8e: {  	[smem:$0x3FC2] =	sst s2  }
0x8f: {  	_ = 	snop  }
0x90: {  	s2 =	sld [smem:$0x3FD0];
	(tm) =	ssettm $0x1  }
0x91: {  	s18 =	sld [smem:$0x3FFB];
	_ =	sdelay $0x3  }
0x92: {  	_ =	strace s18  }
0x93: {  	s3 =	sld [smem:$0x3FFC];
	_ =	sdelay $0x3  }
0x94: {  	_ =	strace s3  }
0x95: {  	s3 =	sld [smem:$0x3FFD];
	_ =	sdelay $0x3  }
0x96: {  	_ =	strace s3  }
0x97: {  	_ =	strace $0x8FFFFFFF  }
0x98: {  	s19 =	sld [smem:$0x3FDB];
	_ =	sdelay $0x1  }
0x99: {  	s4 =	simm.s32 $_scs_section_size  }
0x9a: {  	s5 =	simm.s32 $_size__tile_overlayer_lowered;
	s6 =	simm.s32 $_tile_overlayer_lowered  }
0x9b: {  	s22 =	simm.s32 $0x1BFF;
	s21 =	sshll.u32 s6, $0x1;
	s3 =	sadd.s32 s4, s19  }
0x9c: {  	s7 =	simm.s32 $0x0;
	s20 =	sshll.u32 s5, $0x1;
	s5 =	sadd.s32 s21, s3  }
0x9d: {  	[timem:s7], [sflag:s22] =	dma.local [hbm:s5], s20  }
0x9e: {  	_ =	swait.ge [sflag:s22], s20  }
0x9f: {  	s4 =	ssub.s32 $0x0, s20;
	[sflag:s22] =	ssyncset.done $0x0  }
0xa0: {  	[sflag:s22] =	ssyncadd.s32 s4;
	_ =	sdelay $0x1  }
0xa1: {  	s23 =	simm.s32 $0x1B8B  }
0xa2: {  	_ =	swait.ge [sflag:s23], $0x1  }
0xa3: {  	[sflag:s23] =	ssyncset.done $0x0  }
0xa4: {  	s25 =	simm.s32 $0x1B8E;
	s24 =	sld [smem:$0x3FFE];
	[sflag:s23] =	ssyncadd.s32 $0xFFFFFFFF  }
0xa5: {  	s26 =	simm.s32 $execute0_lowered;
	[smem:$0x3FD2] =	sst s25  }
0xa6: {  	s5 =	sshll.u32 s26, $0x1;
	_ =	strace $0x80000049;
	[dreg:$0x1] =	wrdreg $0xFFFFFFFF  }
0xa7: {  	s28 =	simm.s32 $_size_execute0_lowered;
	s3 =	sadd.s32 s3, s5;
	[dreg:$0x0] =	wrdreg $0x0  }
0xa8: {  	s5 =	sshll.u32 s28, $0x1;
	[dreg:$0x2] =	wrdreg s3  }
0xa9: {  	[dreg:$0x3] =	wrdreg s5  }
0xaa: {  	[dreg:$0x4] =	wrdreg $0xC0  }
0xab: {  	_ =	task [dreg:s7], $0x5FFFF  }
0xac: {  	[dreg:$0x1] =	wrdreg $0xFFFFFFFF  }
0xad: {  	[dreg:$0x0] =	wrdreg $0x60  }
0xae: {  	[dreg:$0x2] =	wrdreg s24  }
0xaf: {  	[dreg:$0x3] =	wrdreg s2  }
0xb0: {  	[dreg:$0x4] =	wrdreg $0x29000  }
0xb1: {  	[dreg:$0x5] =	wrdreg $0x9  }
0xb2: {  	_ =	task.clear_ibuf [dreg:s7], $0x6FFFF;
	_ =	strace $0x90000049  }
0xb3: {  	s29 =	simm.s32 $0x9;
	_ =	strace $0x8000004B  }
0xb4: {  	_ =	swait.ge [sflag:s29], $0x1  }
0xb5: {  	[sflag:s29] =	ssyncadd.s32 $0xFFFFFFFF  }
0xb6: {  	_ =	strace $0x9000004B  }
0xb7: {  	_ =	sfence  }
0xb8: {  	s30 =	sld [smem:$0x0];
	_ =	sdelay $0x2  }
0xb9: {  	s31 =	sshll.u32 s1, $0xD;
	s1 =	sshrl.u32 s1, $0x2  }
0xba: {  	s3 =	sand.u32 $0x4000, s31;
	s1 =	sadd.s32 s1, s30  }
0xbb: {  	s0 =	sor.u32 s3, s0;
	s1 =	sshll.u32 s1, $0x11  }
0xbc: {  	s0 =	sor.u32 s1, s0  }
0xbd: {  	s0 =	sadd.s32 $0x8F2B, s0  }
0xbe: {  	[sflag:s0] =	ssyncadd.remote.s32 $0x1  }
0xbf: {  	_ =	sfence.sel $0xFFFF  }
0xc0: {  	[dreg:$0x0] =	wrdreg $0xFFFFFFFF;
	(pc) =	sbr.abs _section_cstart, $3  }
0xc1: {  	[dreg:$0x1] =	wrdreg $0xFFFFFFFF  }
0xc2: {  	_ =	task.clear_ibuf [dreg:s7], $0x2FFFF;
	_ =	strace $0x9FFFFFFF  }
0xc3: {  	(tm) =	ssettm $0x7FFFFFFF  }
tec
execute0_lowered:
.L_overlay_start_1:
0x0: {  	(tag) =	ssettag $0x1  }
0x1: {  	s5 =	rddreg [dreg:$0x0]  }
0x2: {  	s2 =	rddreg [dreg:$0x1]  }
0x3: {  	s0 =	srdreg.scid;
	s3 =	rddreg [dreg:$0x2]  }
0x4: {  	s1 =	rddreg [dreg:$0x3];
	s4 =	simm.s32 $0x0;
	s6 =	sand.u32 $0x1, s0  }
0x5: {  	s17 =	simm.s32 $0x100;
	s0 =	stileid.u32;
	s7 =	smul.u32 $0x27100, s6  }
0x6: {  	s18 =	simm.s32 $0x2;
	s19 =	simm.s32 $0x80;
	s8 =	smul.u32 $0x2710, s0  }
0x7: {  	s20 =	simm.s32 $0x50;
	s21 =	simm.s32 $0x1;
	s9 =	smul.u32 $0x140000, s6  }
0x8: {  	s22 =	simm.s32 $0x0;
	[smem:$0x7FF] =	sst s4;
	s28 =	smul.u32 $0x14000, s0  }
0x9: {  	s10 =	smul.u32 $0x50000, s0;
	_ =	strace $0x8000004A;
	s6 =	ssub.s32 $0x2, s6  }
0xa: {  	s31 =	sshrl.u32 s6, $0x1;
	s7 =	sadd.s32 s8, s7;
	s29 =	sadd.s32 s28, s9  }
0xb: {  	s30 =	sshrl.u32 s10, $0x2;
	s14 =	ssub.s32 s6, s31;
	s7 =	sshrl.u32 s7, $0x3  }
0xc: {  	s14 =	smax.u32 s14, $0x1;
	s16 =	sadd.s32 s7, s5;
	s7 =	sshrl.u32 s29, $0x3  }
0xd: {  	s13 =	sadd.s32 s7, s5;
	s5 =	sadd.s32 s30, s3;
	s15 =	sadd.s32 $0xC200, s16  }
0xe: {  	s16 =	sadd.s32 $0x2400, s16;
	s6 =	sadd.s32 $0x2800, s5;
	s7 =	sadd.s32 $0x5000, s5  }
0xf: {  	s8 =	sadd.s32 $0x7800, s5;
	s9 =	sadd.s32 $0xA000, s5;
	s10 =	sadd.s32 $0xC800, s5  }
0x10: {  	v0 =	vimm.f32 $0.0e+00;
	s11 =	sadd.s32 $0xF000, s5;
	s12 =	sadd.s32 $0x11800, s5;
	s13 =	sadd.s32 $0x16000, s13  }
.LBB2_1:
0x11: {  	s23 =	simm.s32 $0x0;
	s24 =	simm.s32 $0x200  }
.LBB2_2:
0x12: {  	p0 =	sne.s32 s24, $0x9E00;
	[tilespmem:s23+$0x170] =	vst v0  }
0x13: {  	[tilespmem:s23+$0x100] =	vst v0  }
0x14: {  	[tilespmem:s23+$0x110] =	vst v0  }
.Ltmp0:
0x15: {  	[tilespmem:s23+$0x120] =	vst v0;
	(pc) =	sbr.rel @p0 .LBB2_2-.Ltmp0, $4  }
0x16: {  	[tilespmem:s23+$0x130] =	vst v0  }
0x17: {  	[tilespmem:s23+$0x140] =	vst v0  }
0x18: {  	[tilespmem:s23+$0x150] =	vst v0  }
0x19: {  	[tilespmem:s23+$0x160] =	vst v0;
	s23 =	sshra.s32 s24, $0x2;
	s24 =	sadd.s32 $0x200, s24  }
0x1a: {  	[tilespmem:s23+$0x170] =	vst v0  }
0x1b: {  	[tilespmem:s23+$0x100] =	vst v0  }
0x1c: {  	[tilespmem:s23+$0x110] =	vst v0  }
0x1d: {  	[tilespmem:s23+$0x120] =	vst v0  }
0x1e: {  	[tilespmem:s23+$0x130] =	vst v0  }
0x1f: {  	[tilespmem:s23+$0x140] =	vst v0  }
0x20: {  	[tilespmem:s23+$0x150] =	vst v0  }
0x21: {  	[tilespmem:s23+$0x160] =	vst v0  }
0x22: {  	[spmem:s5] =	stream.linear.scatter [tilespmem:s17], [sflag:$0x2], $0x2800, $0x38;
	[tilespmem:$0x16900] =	vst v63  }
0x23: {  	_ =	swait.ge [sflag:s18], $0x2800  }
0x24: {  	[sflag:s18] =	ssyncset.done $0x0  }
0x25: {  	[sflag:s18] =	ssyncadd.s32 $0xFFFFD800  }
0x26: {  	[spmem:s6] =	stream.linear.scatter [tilespmem:s17], [sflag:$0x2], $0x2800, $0x38;
	[tilespmem:$0x16900] =	vst v63  }
0x27: {  	_ =	swait.ge [sflag:s18], $0x2800  }
0x28: {  	[sflag:s18] =	ssyncset.done $0x0  }
0x29: {  	[sflag:s18] =	ssyncadd.s32 $0xFFFFD800  }
0x2a: {  	[spmem:s7] =	stream.linear.scatter [tilespmem:s17], [sflag:$0x2], $0x2800, $0x38;
	[tilespmem:$0x16900] =	vst v63  }
0x2b: {  	_ =	swait.ge [sflag:s18], $0x2800  }
0x2c: {  	[sflag:s18] =	ssyncset.done $0x0  }
0x2d: {  	[sflag:s18] =	ssyncadd.s32 $0xFFFFD800  }
0x2e: {  	[spmem:s8] =	stream.linear.scatter [tilespmem:s17], [sflag:$0x2], $0x2800, $0x38;
	[tilespmem:$0x16900] =	vst v63  }
0x2f: {  	_ =	swait.ge [sflag:s18], $0x2800  }
0x30: {  	[sflag:s18] =	ssyncset.done $0x0  }
0x31: {  	[sflag:s18] =	ssyncadd.s32 $0xFFFFD800  }
0x32: {  	[spmem:s9] =	stream.linear.scatter [tilespmem:s17], [sflag:$0x2], $0x2800, $0x38;
	[tilespmem:$0x16900] =	vst v63  }
0x33: {  	_ =	swait.ge [sflag:s18], $0x2800  }
0x34: {  	[sflag:s18] =	ssyncset.done $0x0  }
0x35: {  	[sflag:s18] =	ssyncadd.s32 $0xFFFFD800  }
0x36: {  	[spmem:s10] =	stream.linear.scatter [tilespmem:s17], [sflag:$0x2], $0x2800, $0x38;
	[tilespmem:$0x16900] =	vst v63  }
0x37: {  	_ =	swait.ge [sflag:s18], $0x2800  }
0x38: {  	[sflag:s18] =	ssyncset.done $0x0  }
0x39: {  	[sflag:s18] =	ssyncadd.s32 $0xFFFFD800  }
0x3a: {  	[spmem:s11] =	stream.linear.scatter [tilespmem:s17], [sflag:$0x2], $0x2800, $0x38;
	[tilespmem:$0x16900] =	vst v63  }
0x3b: {  	_ =	swait.ge [sflag:s18], $0x2800  }
0x3c: {  	[sflag:s18] =	ssyncset.done $0x0  }
0x3d: {  	[sflag:s18] =	ssyncadd.s32 $0xFFFFD800  }
0x3e: {  	[spmem:s12] =	stream.linear.scatter [tilespmem:s17], [sflag:$0x2], $0x2800, $0x38;
	[tilespmem:$0x16900] =	vst v63  }
0x3f: {  	_ =	swait.ge [sflag:s18], $0x2800  }
0x40: {  	[sflag:s18] =	ssyncset.done $0x0  }
0x41: {  	[sflag:s18] =	ssyncadd.s32 $0xFFFFD800  }
0x42: {  	s30 =	sadd.s32 $0x0, s16;
	[bflag:$0x0] =	sbarrier.arrive $0xFFFF  }
0x43: {  	[tilespmem:s4], [sflag:$0x2] =	stream.linear.gather [hbm4b:s30+s4], $0x50, $0x38;
	[tilespmem:$0x16900] =	vst v63  }
0x44: {  	_ =	swait.ge [sflag:s18], $0x50  }
0x45: {  	[sflag:s18] =	ssyncset.done $0x0  }
0x46: {  	s31 =	sadd.s32 $0x0, s15;
	[sflag:s18] =	ssyncadd.s32 $0xFFFFFFB0  }
0x47: {  	[tilespmem:s19], [sflag:$0x2] =	stream.linear.gather [hbm4b:s31+s4], $0x50, $0x38;
	[tilespmem:$0x16900] =	vst v63  }
0x48: {  	_ =	swait.ge [sflag:s18], $0x50  }
0x49: {  	[sflag:s18] =	ssyncset.done $0x0  }
0x4a: {  	[sflag:s18] =	ssyncadd.s32 $0xFFFFFFB0  }
0x4b: {  	[tilespmem:s17], [sflag:$0x1] =	stream.indirect.gather [hbm4b:s2+s20], $0x80, s4, s20, $0xb8;
	[tilespmem:$0x16900] =	vst v63  }
0x4c: {  	_ =	swait.ge [sflag:s21], $0x2800  }
0x4d: {  	[sflag:s21] =	ssyncset.done $0x0  }
0x4e: {  	[sflag:s21] =	ssyncadd.s32 $0xFFFFD800  }
0x4f: {  	[spmem:s3] =	stream.indirect.scatter.add.f32 [tilespmem:s17], [sflag:$0x2], $0x80, s19, s20, $0xb8;
	[tilespmem:$0x16900] =	vst v63  }
0x50: {  	_ =	swait.ge [sflag:s18], $0x2800  }
0x51: {  	s23 =	simm.s32 $0xA;
	s24 =	simm.s32 $0x14;
	[sflag:s18] =	ssyncset.done $0x0  }
.LBB2_4:
0x52: {  	s25 =	sadd.s32 s23, s16  }
0x53: {  	[sflag:s18] =	ssyncadd.s32 $0xFFFFD800;
	s26 =	smov.u32 s24;
	s28 =	sadd.s32 $0xA, s24  }
0x54: {  	[tilespmem:s4], [sflag:$0x2] =	stream.linear.gather [hbm4b:s25+s4], $0x50, $0x38;
	[tilespmem:$0x16900] =	vst v63  }
0x55: {  	p0 =	sne.s32 s24, $0x4D8;
	_ =	swait.ge [sflag:s18], $0x50  }
0x56: {  	[sflag:s18] =	ssyncset.done $0x0  }
0x57: {  	s24 =	sadd.s32 s23, s15;
	s23 =	smov.u32 s26;
	[sflag:s18] =	ssyncadd.s32 $0xFFFFFFB0  }
0x58: {  	[tilespmem:s19], [sflag:$0x2] =	stream.linear.gather [hbm4b:s24+s4], $0x50, $0x38;
	[tilespmem:$0x16900] =	vst v63  }
0x59: {  	_ =	swait.ge [sflag:s18], $0x50  }
0x5a: {  	[sflag:s18] =	ssyncset.done $0x0  }
0x5b: {  	[sflag:s18] =	ssyncadd.s32 $0xFFFFFFB0  }
0x5c: {  	[tilespmem:s17], [sflag:$0x1] =	stream.indirect.gather [hbm4b:s2+s20], $0x80, s4, s20, $0xb8;
	[tilespmem:$0x16900] =	vst v63  }
0x5d: {  	_ =	swait.ge [sflag:s21], $0x2800  }
.Ltmp1:
0x5e: {  	[sflag:s21] =	ssyncset.done $0x0;
	(pc) =	sbr.rel @p0 .LBB2_4-.Ltmp1, $4  }
0x5f: {  	[sflag:s21] =	ssyncadd.s32 $0xFFFFD800  }
0x60: {  	[spmem:s3] =	stream.indirect.scatter.add.f32 [tilespmem:s17], [sflag:$0x2], $0x80, s19, s20, $0xb8;
	[tilespmem:$0x16900] =	vst v63  }
0x61: {  	_ =	swait.ge [sflag:s18], $0x2800  }
0x62: {  	s24 =	smov.u32 s28;
	[sflag:s18] =	ssyncset.done $0x0  }
0x63: {  	s24 =	sadd.s32 s23, s16;
	[sflag:s18] =	ssyncadd.s32 $0xFFFFD800  }
0x64: {  	[tilespmem:s4], [sflag:$0x2] =	stream.linear.gather [hbm4b:s24+s4], $0x50, $0x38;
	[tilespmem:$0x16900] =	vst v63  }
0x65: {  	_ =	swait.ge [sflag:s18], $0x50  }
0x66: {  	[sflag:s18] =	ssyncset.done $0x0  }
0x67: {  	s29 =	sadd.s32 s23, s15;
	[sflag:s18] =	ssyncadd.s32 $0xFFFFFFB0  }
0x68: {  	[tilespmem:s19], [sflag:$0x2] =	stream.linear.gather [hbm4b:s29+s4], $0x50, $0x38;
	[tilespmem:$0x16900] =	vst v63  }
0x69: {  	_ =	swait.ge [sflag:s18], $0x50  }
0x6a: {  	[sflag:s18] =	ssyncset.done $0x0  }
0x6b: {  	[sflag:s18] =	ssyncadd.s32 $0xFFFFFFB0  }
0x6c: {  	[tilespmem:s17], [sflag:$0x1] =	stream.indirect.gather [hbm4b:s2+s20], $0x80, s4, s20, $0xb8;
	[tilespmem:$0x16900] =	vst v63  }
0x6d: {  	_ =	swait.ge [sflag:s21], $0x2800  }
0x6e: {  	[sflag:s21] =	ssyncset.done $0x0  }
0x6f: {  	[sflag:s21] =	ssyncadd.s32 $0xFFFFD800  }
0x70: {  	[spmem:s3] =	stream.indirect.scatter.add.f32 [tilespmem:s17], [sflag:$0x2], $0x80, s19, s20, $0xb8;
	[tilespmem:$0x16900] =	vst v63  }
0x71: {  	_ =	swait.ge [sflag:s18], $0x2800  }
0x72: {  	s30 =	sshll.u32 s0, $0x6;
	s22 =	sadd.s32 $0x1, s22;
	[sflag:s18] =	ssyncset.done $0x0  }
0x73: {  	s31 =	sshrl.u32 s5, $0x3;
	p0 =	sne.s32 s22, s14;
	[sflag:s18] =	ssyncadd.s32 $0xFFFFD800  }
.Ltmp2:
0x74: {  	s23 =	sor.u32 $0x1C02, s30;
	[bflag:$0x0] =	sbarrier.arrive $0xFFFF;
	(pc) =	sbr.rel @p0 .LBB2_1-.Ltmp2, $4  }
0x75: {  	[hbm:s13], [sflag:s23] =	dma.local [spmem:s31], $0x2800  }
0x76: {  	_ =	swait.ge [sflag:s18], $0x2800  }
0x77: {  	[sflag:s18] =	ssyncset.done $0x0  }
0x78: {  	[sflag:s18] =	ssyncadd.s32 $0xFFFFD800  }
0x79: {  	_ =	sfence.sel $0x180000  }
0x7a: {  	[bflag:$0x0] =	sbarrier.arrive $0xFFFF  }
0x7b: {  	p0 =	sne.s32 s0, $0x0;
	_ =	strace $0x9000004A  }
0x7c: {  	s0 =	sadd.s32 @!p0 $0x100000, s1;
	[bflag:$0x2] =	sbarrier.arrive $0xFFFF  }
0x7d: {  	[sflag:s0] =	ssyncadd.tile.s32 @!p0 $0x1;
	_ =	shalt  }
.Lfunc_end2:
_tile_overlayer_lowered:
.L_overlay_start_2:
0x7e: {  	(tag) =	ssettag $0x2  }
0x7f: {  	s0 =	rddreg [dreg:$0x0];
	s2 =	stileid.u32  }
0x80: {  	s1 =	rddreg [dreg:$0x1];
	p0 =	sne.s32 s2, $0x0  }
0x81: {  	s3 =	rddreg [dreg:$0x2];
	[bflag:$0x3] =	sbarrier.arrive $0xFFFF;
	s2 =	simm.s32 @!p0 $0x1C02  }
0x82: {  	[timem:s3], [sflag:s2] =	dma.local @!p0 [hbm:s0], s1  }
0x83: {  	s0 =	simm.s32 @!p0 $0x2  }
0x84: {  	_ =	swait.ge @!p0 [sflag:s0], s1  }
0x85: {  	s1 =	ssub.s32 @!p0 $0x0, s1;
	[sflag:s0] =	ssyncset.done @!p0 $0x0  }
0x86: {  	[sflag:s0] =	ssyncadd.s32 @!p0 s1  }
0x87: {  	[bflag:$0x3] =	sbarrier.arrive $0xFFFF  }
0x88: {  	_ =	shalt  }

// kernel: kernel.14.cloned.1.call-start
scs
__scs_entry_jumppad:
0x0: {  	(pc) =	sbr.rel $0x88, $3  }
0x1: {  	(tag) =	ssettag $0x0;
	lr =	simm.s32 $0x1  }
0x2: {  	[smem:$0x3F9B] =	sst lr;
	_ =	strace $0xD0000000  }
0x3: {  	_ = 	snop  }
0x4: {  	_ = 	snop  }
0x5: {  	_ = 	snop  }
0x6: {  	_ = 	snop  }
0x7: {  	_ = 	snop  }
__scs_overlays_trampoline_lowered:
0x8: {  	[smem:$0x3FAA] =	sst s0  }
0x9: {  	[smem:$0x3FAB] =	sst s1  }
0xa: {  	[smem:$0x3FAC] =	sst s2  }
0xb: {  	[smem:$0x3FAD] =	sst s3  }
0xc: {  	[smem:$0x3FAE] =	sst s4  }
0xd: {  	[smem:$0x3FAF] =	sst s5  }
0xe: {  	[smem:$0x3FB0] =	sst s6  }
0xf: {  	[smem:$0x3FB1] =	sst s7  }
0x10: {  	[smem:$0x3FB2] =	sst s8  }
0x11: {  	[smem:$0x3FB3] =	sst s9;
	s0 =	simm.s32 @!p0 $0x0  }
0x12: {  	s1 =	sld [smem:$0x3F99];
	s0 =	simm.s32 @p0 $0x1  }
0x13: {  	[smem:$0x3FB4] =	sst s0;
	s0 =	simm.s32 @!p1 $0x0  }
0x14: {  	s2 =	sld [smem:$0x3F98];
	s0 =	simm.s32 @p1 $0x1  }
0x15: {  	[smem:$0x3FB5] =	sst s0;
	s0 =	simm.s32 @!p2 $0x0  }
0x16: {  	s3 =	sld [smem:$0x3FDB];
	s0 =	simm.s32 @p2 $0x1  }
0x17: {  	s4 =	simm.s32 $0x1BF5;
	[smem:$0x3FB7] =	sst s0  }
0x18: {  	s0 =	sld [smem:$0x3F9A];
	_ =	swait.ge [sflag:s4], $0x0  }
0x19: {  	s7 =	sld [smem:$0x3F9B]  }
0x1a: {  	s8 =	sadd.s32 $0xFFFFE003, lr  }
0x1b: {  	s9 =	sadd.s32 $0xFFFFFEF7, lr;
	s5 =	simm.s32 $0xFFFFFFFF;
	p2 =	slt.u32 s8, $0xFFFFF086  }
0x1c: {  	p1 =	slt.u32 s9, $0xF7A;
	s5 =	simm.s32 @!p2 $0x0  }
0x1d: {  	s5 =	simm.s32 @p1 $0x1;
	p0 =	seq.s32 s7, s2  }
0x1e: {  	s7 =	smul.u32 @!p0 $0xF7A, s2;
	p2 =	seq.s32 @!p0 s5, $0x0  }
0x1f: {  	s9 =	smul.u32 $0xF7A, s1;
	s8 =	simm.s32 @!p0 $0x1BF5;
	p2 =	por !p2, p0  }
0x20: {  	[sflag:s8] =	ssyncset.s32 @!p0 $0xFFFFF086;
	s6 =	sadd.s32 @!p0 s3, s7;
	s7 =	simm.s32 @!p0 $0x108  }
0x21: {  	s3 =	sadd.s32 s3, s9;
	s6 =	sadd.s32 @!p0 $0x88, s6;
	s7 =	simm.s32 @p2 $0x1082  }
0x22: {  	[simem:s7], [sflag:s8] =	dma.local @!p0 [hbm:s6], $0xF7A  }
0x23: {  	s9 =	sor.u32 $0xD0000000, s2;
	s6 =	simm.s32 $0x108;
	_ =	swait.ge @!p0 [sflag:s8], $0x0  }
0x24: {  	s3 =	sadd.s32 $0x88, s3;
	s6 =	simm.s32 @!p1 $0x1082;
	[sflag:s4] =	ssyncset.s32 $0xFFFFF086  }
0x25: {  	[simem:s6], [sflag:s4] =	dma.local [hbm:s3], $0xF7A  }
0x26: {  	[smem:$0x3F9B] =	sst s1;
	(tag) =	ssettag s2;
	_ =	strace s9  }
0x27: {  	s1 =	sld [smem:$0x3FAB]  }
0x28: {  	s2 =	sld [smem:$0x3FAC]  }
0x29: {  	s4 =	sld [smem:$0x3FAE]  }
0x2a: {  	p0 =	seq.s32 s5, $0x0;
	s5 =	sld [smem:$0x3FAF]  }
0x2b: {  	s6 =	sld [smem:$0x3FB0]  }
0x2c: {  	s7 =	sld [smem:$0x3FB1]  }
0x2d: {  	s3 =	simm.s32 $0x108;
	s8 =	sld [smem:$0x3FB2]  }
0x2e: {  	s3 =	simm.s32 @!p0 $0x1082;
	s9 =	sld [smem:$0x3FB3]  }
0x2f: {  	lr =	sadd.s32 s0, s3;
	s0 =	sld [smem:$0x3FAA]  }
0x30: {  	s3 =	sld [smem:$0x3FAD]  }
0x31: {  	[smem:$0x3FB6] =	sst s10  }
0x32: {  	s10 =	sld [smem:$0x3FB4];
	_ =	sdelay $0x3  }
0x33: {  	p0 =	seq.s32 s10, $0x1;
	s10 =	sld [smem:$0x3FB6];
	_ =	sdelay $0x3  }
0x34: {  	[smem:$0x3FB6] =	sst s10  }
0x35: {  	s10 =	sld [smem:$0x3FB5];
	_ =	sdelay $0x3  }
0x36: {  	p1 =	seq.s32 s10, $0x1;
	s10 =	sld [smem:$0x3FB6];
	_ =	sdelay $0x3  }
0x37: {  	[smem:$0x3FB6] =	sst s10  }
0x38: {  	s10 =	sld [smem:$0x3FB7]  }
0x39: {  	_ = 	snop;
	(pc) =	sbr.ind lr, $3  }
0x3a: {  	_ = 	snop  }
0x3b: {  	_ = 	snop  }
0x3c: {  	p2 =	seq.s32 s10, $0x1;
	s10 =	sld [smem:$0x3FB6]  }
0x3d: {  	_ =	shalt  }
0x3e: {  	_ =	shalt  }
0x3f: {  	_ =	shalt  }
0x40: {  	_ =	shalt  }
0x41: {  	_ =	shalt  }
0x42: {  	_ =	shalt  }
0x43: {  	_ =	shalt  }
0x44: {  	_ =	shalt  }
0x45: {  	_ =	shalt  }
0x46: {  	_ =	shalt  }
0x47: {  	_ =	shalt  }
0x48: {  	_ =	shalt  }
0x49: {  	_ =	shalt  }
0x4a: {  	_ =	shalt  }
0x4b: {  	_ =	shalt  }
0x4c: {  	_ =	shalt  }
0x4d: {  	_ =	shalt  }
0x4e: {  	_ =	shalt  }
0x4f: {  	_ =	shalt  }
0x50: {  	_ =	shalt  }
0x51: {  	_ =	shalt  }
0x52: {  	_ =	shalt  }
0x53: {  	_ =	shalt  }
0x54: {  	_ =	shalt  }
0x55: {  	_ =	shalt  }
0x56: {  	_ =	shalt  }
0x57: {  	_ =	shalt  }
0x58: {  	_ =	shalt  }
0x59: {  	_ =	shalt  }
0x5a: {  	_ =	shalt  }
0x5b: {  	_ =	shalt  }
0x5c: {  	_ =	shalt  }
0x5d: {  	_ =	shalt  }
0x5e: {  	_ =	shalt  }
0x5f: {  	_ =	shalt  }
0x60: {  	_ =	shalt  }
0x61: {  	_ =	shalt  }
0x62: {  	_ =	shalt  }
0x63: {  	_ =	shalt  }
0x64: {  	_ =	shalt  }
0x65: {  	_ =	shalt  }
0x66: {  	_ =	shalt  }
0x67: {  	_ =	shalt  }
0x68: {  	_ =	shalt  }
0x69: {  	_ =	shalt  }
0x6a: {  	_ =	shalt  }
0x6b: {  	_ =	shalt  }
0x6c: {  	_ =	shalt  }
0x6d: {  	_ =	shalt  }
0x6e: {  	_ =	shalt  }
0x6f: {  	_ =	shalt  }
0x70: {  	_ =	shalt  }
0x71: {  	_ =	shalt  }
0x72: {  	_ =	shalt  }
0x73: {  	_ =	shalt  }
0x74: {  	_ =	shalt  }
0x75: {  	_ =	shalt  }
0x76: {  	_ =	shalt  }
0x77: {  	_ =	shalt  }
0x78: {  	_ =	shalt  }
0x79: {  	_ =	shalt  }
0x7a: {  	_ =	shalt  }
0x7b: {  	_ =	shalt  }
0x7c: {  	_ =	shalt  }
0x7d: {  	_ =	shalt  }
0x7e: {  	_ =	shalt  }
0x7f: {  	_ =	shalt  }
0x80: {  	_ =	shalt  }
0x81: {  	_ =	shalt  }
0x82: {  	_ =	shalt  }
0x83: {  	_ =	shalt  }
0x84: {  	_ =	shalt  }
0x85: {  	_ =	shalt  }
0x86: {  	_ =	shalt  }
0x87: {  	_ =	shalt  }
.Lfunc_end0:
.L_simem_size_0:
called_computation.2_lowered:
.L_overlay_start_0:
0x88: {  	s2 =	sld [smem:$0x3FD9]  }
0x89: {  	s3 =	sld [smem:$0x3FFE];
	_ =	sdelay $0x1  }
0x8a: {  	s1 =	srdreg.scid  }
0x8b: {  	s0 =	sand.u32 $0x1, s1  }
0x8c: {  	s17 =	sshll.u32 s0, $0xA;
	s2 =	sadd.s32 s3, s2  }
0x8d: {  	s2 =	sadd.s32 s2, s17  }
0x8e: {  	[smem:$0x3FC2] =	sst s2  }
0x8f: {  	_ = 	snop  }
0x90: {  	s2 =	sld [smem:$0x3FD0];
	(tm) =	ssettm $0x1  }
0x91: {  	s18 =	sld [smem:$0x3FFB];
	_ =	sdelay $0x3  }
0x92: {  	_ =	strace s18  }
0x93: {  	s3 =	sld [smem:$0x3FFC];
	_ =	sdelay $0x3  }
0x94: {  	_ =	strace s3  }
0x95: {  	s3 =	sld [smem:$0x3FFD];
	_ =	sdelay $0x3  }
0x96: {  	_ =	strace s3  }
0x97: {  	_ =	strace $0x8FFFFFFF  }
0x98: {  	s19 =	sld [smem:$0x3FDB];
	_ =	sdelay $0x1  }
0x99: {  	s4 =	simm.s32 $_scs_section_size  }
0x9a: {  	s5 =	simm.s32 $_size__tile_overlayer_lowered;
	s6 =	simm.s32 $_tile_overlayer_lowered  }
0x9b: {  	s22 =	simm.s32 $0x1BFF;
	s21 =	sshll.u32 s6, $0x1;
	s3 =	sadd.s32 s4, s19  }
0x9c: {  	s7 =	simm.s32 $0x0;
	s20 =	sshll.u32 s5, $0x1;
	s5 =	sadd.s32 s21, s3  }
0x9d: {  	[timem:s7], [sflag:s22] =	dma.local [hbm:s5], s20  }
0x9e: {  	_ =	swait.ge [sflag:s22], s20  }
0x9f: {  	s4 =	ssub.s32 $0x0, s20;
	[sflag:s22] =	ssyncset.done $0x0  }
0xa0: {  	[sflag:s22] =	ssyncadd.s32 s4;
	_ =	sdelay $0x1  }
0xa1: {  	s23 =	simm.s32 $0x1B8B  }
0xa2: {  	_ =	swait.ge [sflag:s23], $0x1  }
0xa3: {  	[sflag:s23] =	ssyncset.done $0x0  }
0xa4: {  	s25 =	simm.s32 $0x1B8E;
	s24 =	sld [smem:$0x3FFE];
	[sflag:s23] =	ssyncadd.s32 $0xFFFFFFFF  }
0xa5: {  	s26 =	simm.s32 $execute0_lowered;
	[smem:$0x3FD2] =	sst s25  }
0xa6: {  	s5 =	sshll.u32 s26, $0x1;
	_ =	strace $0x8000004C;
	[dreg:$0x1] =	wrdreg $0xFFFFFFFF  }
0xa7: {  	s28 =	simm.s32 $_size_execute0_lowered;
	s3 =	sadd.s32 s3, s5;
	[dreg:$0x0] =	wrdreg $0x0  }
0xa8: {  	s5 =	sshll.u32 s28, $0x1;
	[dreg:$0x2] =	wrdreg s3  }
0xa9: {  	[dreg:$0x3] =	wrdreg s5  }
0xaa: {  	[dreg:$0x4] =	wrdreg $0xC0  }
0xab: {  	_ =	task [dreg:s7], $0x5FFFF  }
0xac: {  	[dreg:$0x1] =	wrdreg $0xFFFFFFFF  }
0xad: {  	[dreg:$0x0] =	wrdreg $0x60  }
0xae: {  	[dreg:$0x2] =	wrdreg s24  }
0xaf: {  	[dreg:$0x3] =	wrdreg s2  }
0xb0: {  	[dreg:$0x4] =	wrdreg $0x29000  }
0xb1: {  	[dreg:$0x5] =	wrdreg $0x9  }
0xb2: {  	_ =	task.clear_ibuf [dreg:s7], $0x6FFFF;
	_ =	strace $0x9000004C  }
0xb3: {  	s29 =	simm.s32 $0x9;
	_ =	strace $0x8000004E  }
0xb4: {  	_ =	swait.ge [sflag:s29], $0x1  }
0xb5: {  	[sflag:s29] =	ssyncadd.s32 $0xFFFFFFFF  }
0xb6: {  	_ =	strace $0x9000004E  }
0xb7: {  	_ =	sfence  }
0xb8: {  	s30 =	sld [smem:$0x0];
	_ =	sdelay $0x2  }
0xb9: {  	s31 =	sshll.u32 s1, $0xD;
	s1 =	sshrl.u32 s1, $0x2  }
0xba: {  	s3 =	sand.u32 $0x4000, s31;
	s1 =	sadd.s32 s1, s30  }
0xbb: {  	s0 =	sor.u32 s3, s0;
	s1 =	sshll.u32 s1, $0x11  }
0xbc: {  	s0 =	sor.u32 s1, s0  }
0xbd: {  	s0 =	sadd.s32 $0x8F2B, s0  }
0xbe: {  	[sflag:s0] =	ssyncadd.remote.s32 $0x1  }
0xbf: {  	_ =	sfence.sel $0xFFFF  }
0xc0: {  	[dreg:$0x0] =	wrdreg $0xFFFFFFFF;
	(pc) =	sbr.abs _section_cstart, $3  }
0xc1: {  	[dreg:$0x1] =	wrdreg $0xFFFFFFFF  }
0xc2: {  	_ =	task.clear_ibuf [dreg:s7], $0x2FFFF;
	_ =	strace $0x9FFFFFFF  }
0xc3: {  	(tm) =	ssettm $0x7FFFFFFF  }
tec
execute0_lowered:
.L_overlay_start_1:
0x0: {  	(tag) =	ssettag $0x1  }
0x1: {  	s5 =	rddreg [dreg:$0x0]  }
0x2: {  	s2 =	rddreg [dreg:$0x1]  }
0x3: {  	s0 =	srdreg.scid;
	s3 =	rddreg [dreg:$0x2]  }
0x4: {  	s1 =	rddreg [dreg:$0x3];
	s4 =	simm.s32 $0x0;
	s6 =	sand.u32 $0x1, s0  }
0x5: {  	s17 =	simm.s32 $0x100;
	s0 =	stileid.u32;
	s7 =	smul.u32 $0x27100, s6  }
0x6: {  	s18 =	simm.s32 $0x2;
	s19 =	simm.s32 $0x80;
	s8 =	smul.u32 $0x2710, s0  }
0x7: {  	s20 =	simm.s32 $0x50;
	s21 =	simm.s32 $0x1;
	s9 =	smul.u32 $0x140000, s6  }
0x8: {  	s22 =	simm.s32 $0x0;
	[smem:$0x7FF] =	sst s4;
	s28 =	smul.u32 $0x14000, s0  }
0x9: {  	s10 =	smul.u32 $0x50000, s0;
	_ =	strace $0x8000004D;
	s6 =	ssub.s32 $0x2, s6  }
0xa: {  	s31 =	sshrl.u32 s6, $0x1;
	s7 =	sadd.s32 s8, s7;
	s29 =	sadd.s32 s28, s9  }
0xb: {  	s30 =	sshrl.u32 s10, $0x2;
	s14 =	ssub.s32 s6, s31;
	s7 =	sshrl.u32 s7, $0x3  }
0xc: {  	s14 =	smax.u32 s14, $0x1;
	s16 =	sadd.s32 s7, s5;
	s7 =	sshrl.u32 s29, $0x3  }
0xd: {  	s13 =	sadd.s32 s7, s5;
	s5 =	sadd.s32 s30, s3;
	s15 =	sadd.s32 $0xC200, s16  }
0xe: {  	s16 =	sadd.s32 $0x2400, s16;
	s6 =	sadd.s32 $0x2800, s5;
	s7 =	sadd.s32 $0x5000, s5  }
0xf: {  	s8 =	sadd.s32 $0x7800, s5;
	s9 =	sadd.s32 $0xA000, s5;
	s10 =	sadd.s32 $0xC800, s5  }
0x10: {  	v0 =	vimm.f32 $0.0e+00;
	s11 =	sadd.s32 $0xF000, s5;
	s12 =	sadd.s32 $0x11800, s5;
	s13 =	sadd.s32 $0x16000, s13  }
.LBB2_1:
0x11: {  	s23 =	simm.s32 $0x0;
	s24 =	simm.s32 $0x200  }
.LBB2_2:
0x12: {  	p0 =	sne.s32 s24, $0x9E00;
	[tilespmem:s23+$0x170] =	vst v0  }
0x13: {  	[tilespmem:s23+$0x100] =	vst v0  }
0x14: {  	[tilespmem:s23+$0x110] =	vst v0  }
.Ltmp0:
0x15: {  	[tilespmem:s23+$0x120] =	vst v0;
	(pc) =	sbr.rel @p0 .LBB2_2-.Ltmp0, $4  }
0x16: {  	[tilespmem:s23+$0x130] =	vst v0  }
0x17: {  	[tilespmem:s23+$0x140] =	vst v0  }
0x18: {  	[tilespmem:s23+$0x150] =	vst v0  }
0x19: {  	[tilespmem:s23+$0x160] =	vst v0;
	s23 =	sshra.s32 s24, $0x2;
	s24 =	sadd.s32 $0x200, s24  }
0x1a: {  	[tilespmem:s23+$0x170] =	vst v0  }
0x1b: {  	[tilespmem:s23+$0x100] =	vst v0  }
0x1c: {  	[tilespmem:s23+$0x110] =	vst v0  }
0x1d: {  	[tilespmem:s23+$0x120] =	vst v0  }
0x1e: {  	[tilespmem:s23+$0x130] =	vst v0  }
0x1f: {  	[tilespmem:s23+$0x140] =	vst v0  }
0x20: {  	[tilespmem:s23+$0x150] =	vst v0  }
0x21: {  	[tilespmem:s23+$0x160] =	vst v0  }
0x22: {  	[spmem:s5] =	stream.linear.scatter [tilespmem:s17], [sflag:$0x2], $0x2800, $0x38;
	[tilespmem:$0x16900] =	vst v63  }
0x23: {  	_ =	swait.ge [sflag:s18], $0x2800  }
0x24: {  	[sflag:s18] =	ssyncset.done $0x0  }
0x25: {  	[sflag:s18] =	ssyncadd.s32 $0xFFFFD800  }
0x26: {  	[spmem:s6] =	stream.linear.scatter [tilespmem:s17], [sflag:$0x2], $0x2800, $0x38;
	[tilespmem:$0x16900] =	vst v63  }
0x27: {  	_ =	swait.ge [sflag:s18], $0x2800  }
0x28: {  	[sflag:s18] =	ssyncset.done $0x0  }
0x29: {  	[sflag:s18] =	ssyncadd.s32 $0xFFFFD800  }
0x2a: {  	[spmem:s7] =	stream.linear.scatter [tilespmem:s17], [sflag:$0x2], $0x2800, $0x38;
	[tilespmem:$0x16900] =	vst v63  }
0x2b: {  	_ =	swait.ge [sflag:s18], $0x2800  }
0x2c: {  	[sflag:s18] =	ssyncset.done $0x0  }
0x2d: {  	[sflag:s18] =	ssyncadd.s32 $0xFFFFD800  }
0x2e: {  	[spmem:s8] =	stream.linear.scatter [tilespmem:s17], [sflag:$0x2], $0x2800, $0x38;
	[tilespmem:$0x16900] =	vst v63  }
0x2f: {  	_ =	swait.ge [sflag:s18], $0x2800  }
0x30: {  	[sflag:s18] =	ssyncset.done $0x0  }
0x31: {  	[sflag:s18] =	ssyncadd.s32 $0xFFFFD800  }
0x32: {  	[spmem:s9] =	stream.linear.scatter [tilespmem:s17], [sflag:$0x2], $0x2800, $0x38;
	[tilespmem:$0x16900] =	vst v63  }
0x33: {  	_ =	swait.ge [sflag:s18], $0x2800  }
0x34: {  	[sflag:s18] =	ssyncset.done $0x0  }
0x35: {  	[sflag:s18] =	ssyncadd.s32 $0xFFFFD800  }
0x36: {  	[spmem:s10] =	stream.linear.scatter [tilespmem:s17], [sflag:$0x2], $0x2800, $0x38;
	[tilespmem:$0x16900] =	vst v63  }
0x37: {  	_ =	swait.ge [sflag:s18], $0x2800  }
0x38: {  	[sflag:s18] =	ssyncset.done $0x0  }
0x39: {  	[sflag:s18] =	ssyncadd.s32 $0xFFFFD800  }
0x3a: {  	[spmem:s11] =	stream.linear.scatter [tilespmem:s17], [sflag:$0x2], $0x2800, $0x38;
	[tilespmem:$0x16900] =	vst v63  }
0x3b: {  	_ =	swait.ge [sflag:s18], $0x2800  }
0x3c: {  	[sflag:s18] =	ssyncset.done $0x0  }
0x3d: {  	[sflag:s18] =	ssyncadd.s32 $0xFFFFD800  }
0x3e: {  	[spmem:s12] =	stream.linear.scatter [tilespmem:s17], [sflag:$0x2], $0x2800, $0x38;
	[tilespmem:$0x16900] =	vst v63  }
0x3f: {  	_ =	swait.ge [sflag:s18], $0x2800  }
0x40: {  	[sflag:s18] =	ssyncset.done $0x0  }
0x41: {  	[sflag:s18] =	ssyncadd.s32 $0xFFFFD800  }
0x42: {  	s30 =	sadd.s32 $0x0, s16;
	[bflag:$0x0] =	sbarrier.arrive $0xFFFF  }
0x43: {  	[tilespmem:s4], [sflag:$0x2] =	stream.linear.gather [hbm4b:s30+s4], $0x50, $0x38;
	[tilespmem:$0x16900] =	vst v63  }
0x44: {  	_ =	swait.ge [sflag:s18], $0x50  }
0x45: {  	[sflag:s18] =	ssyncset.done $0x0  }
0x46: {  	s31 =	sadd.s32 $0x0, s15;
	[sflag:s18] =	ssyncadd.s32 $0xFFFFFFB0  }
0x47: {  	[tilespmem:s19], [sflag:$0x2] =	stream.linear.gather [hbm4b:s31+s4], $0x50, $0x38;
	[tilespmem:$0x16900] =	vst v63  }
0x48: {  	_ =	swait.ge [sflag:s18], $0x50  }
0x49: {  	[sflag:s18] =	ssyncset.done $0x0  }
0x4a: {  	[sflag:s18] =	ssyncadd.s32 $0xFFFFFFB0  }
0x4b: {  	[tilespmem:s17], [sflag:$0x1] =	stream.indirect.gather [hbm4b:s2+s20], $0x80, s4, s20, $0xb8;
	[tilespmem:$0x16900] =	vst v63  }
0x4c: {  	_ =	swait.ge [sflag:s21], $0x2800  }
0x4d: {  	[sflag:s21] =	ssyncset.done $0x0  }
0x4e: {  	[sflag:s21] =	ssyncadd.s32 $0xFFFFD800  }
0x4f: {  	[spmem:s3] =	stream.indirect.scatter.add.f32 [tilespmem:s17], [sflag:$0x2], $0x80, s19, s20, $0xb8;
	[tilespmem:$0x16900] =	vst v63  }
0x50: {  	_ =	swait.ge [sflag:s18], $0x2800  }
0x51: {  	s23 =	simm.s32 $0xA;
	s24 =	simm.s32 $0x14;
	[sflag:s18] =	ssyncset.done $0x0  }
.LBB2_4:
0x52: {  	s25 =	sadd.s32 s23, s16  }
0x53: {  	[sflag:s18] =	ssyncadd.s32 $0xFFFFD800;
	s26 =	smov.u32 s24;
	s28 =	sadd.s32 $0xA, s24  }
0x54: {  	[tilespmem:s4], [sflag:$0x2] =	stream.linear.gather [hbm4b:s25+s4], $0x50, $0x38;
	[tilespmem:$0x16900] =	vst v63  }
0x55: {  	p0 =	sne.s32 s24, $0x4D8;
	_ =	swait.ge [sflag:s18], $0x50  }
0x56: {  	[sflag:s18] =	ssyncset.done $0x0  }
0x57: {  	s24 =	sadd.s32 s23, s15;
	s23 =	smov.u32 s26;
	[sflag:s18] =	ssyncadd.s32 $0xFFFFFFB0  }
0x58: {  	[tilespmem:s19], [sflag:$0x2] =	stream.linear.gather [hbm4b:s24+s4], $0x50, $0x38;
	[tilespmem:$0x16900] =	vst v63  }
0x59: {  	_ =	swait.ge [sflag:s18], $0x50  }
0x5a: {  	[sflag:s18] =	ssyncset.done $0x0  }
0x5b: {  	[sflag:s18] =	ssyncadd.s32 $0xFFFFFFB0  }
0x5c: {  	[tilespmem:s17], [sflag:$0x1] =	stream.indirect.gather [hbm4b:s2+s20], $0x80, s4, s20, $0xb8;
	[tilespmem:$0x16900] =	vst v63  }
0x5d: {  	_ =	swait.ge [sflag:s21], $0x2800  }
.Ltmp1:
0x5e: {  	[sflag:s21] =	ssyncset.done $0x0;
	(pc) =	sbr.rel @p0 .LBB2_4-.Ltmp1, $4  }
0x5f: {  	[sflag:s21] =	ssyncadd.s32 $0xFFFFD800  }
0x60: {  	[spmem:s3] =	stream.indirect.scatter.add.f32 [tilespmem:s17], [sflag:$0x2], $0x80, s19, s20, $0xb8;
	[tilespmem:$0x16900] =	vst v63  }
0x61: {  	_ =	swait.ge [sflag:s18], $0x2800  }
0x62: {  	s24 =	smov.u32 s28;
	[sflag:s18] =	ssyncset.done $0x0  }
0x63: {  	s24 =	sadd.s32 s23, s16;
	[sflag:s18] =	ssyncadd.s32 $0xFFFFD800  }
0x64: {  	[tilespmem:s4], [sflag:$0x2] =	stream.linear.gather [hbm4b:s24+s4], $0x50, $0x38;
	[tilespmem:$0x16900] =	vst v63  }
0x65: {  	_ =	swait.ge [sflag:s18], $0x50  }
0x66: {  	[sflag:s18] =	ssyncset.done $0x0  }
0x67: {  	s29 =	sadd.s32 s23, s15;
	[sflag:s18] =	ssyncadd.s32 $0xFFFFFFB0  }
0x68: {  	[tilespmem:s19], [sflag:$0x2] =	stream.linear.gather [hbm4b:s29+s4], $0x50, $0x38;
	[tilespmem:$0x16900] =	vst v63  }
0x69: {  	_ =	swait.ge [sflag:s18], $0x50  }
0x6a: {  	[sflag:s18] =	ssyncset.done $0x0  }
0x6b: {  	[sflag:s18] =	ssyncadd.s32 $0xFFFFFFB0  }
0x6c: {  	[tilespmem:s17], [sflag:$0x1] =	stream.indirect.gather [hbm4b:s2+s20], $0x80, s4, s20, $0xb8;
	[tilespmem:$0x16900] =	vst v63  }
0x6d: {  	_ =	swait.ge [sflag:s21], $0x2800  }
0x6e: {  	[sflag:s21] =	ssyncset.done $0x0  }
0x6f: {  	[sflag:s21] =	ssyncadd.s32 $0xFFFFD800  }
0x70: {  	[spmem:s3] =	stream.indirect.scatter.add.f32 [tilespmem:s17], [sflag:$0x2], $0x80, s19, s20, $0xb8;
	[tilespmem:$0x16900] =	vst v63  }
0x71: {  	_ =	swait.ge [sflag:s18], $0x2800  }
0x72: {  	s30 =	sshll.u32 s0, $0x6;
	s22 =	sadd.s32 $0x1, s22;
	[sflag:s18] =	ssyncset.done $0x0  }
0x73: {  	s31 =	sshrl.u32 s5, $0x3;
	p0 =	sne.s32 s22, s14;
	[sflag:s18] =	ssyncadd.s32 $0xFFFFD800  }
.Ltmp2:
0x74: {  	s23 =	sor.u32 $0x1C02, s30;
	[bflag:$0x0] =	sbarrier.arrive $0xFFFF;
	(pc) =	sbr.rel @p0 .LBB2_1-.Ltmp2, $4  }
0x75: {  	[hbm:s13], [sflag:s23] =	dma.local [spmem:s31], $0x2800  }
0x76: {  	_ =	swait.ge [sflag:s18], $0x2800  }
0x77: {  	[sflag:s18] =	ssyncset.done $0x0  }
0x78: {  	[sflag:s18] =	ssyncadd.s32 $0xFFFFD800  }
0x79: {  	_ =	sfence.sel $0x180000  }
0x7a: {  	[bflag:$0x0] =	sbarrier.arrive $0xFFFF  }
0x7b: {  	p0 =	sne.s32 s0, $0x0;
	_ =	strace $0x9000004D  }
0x7c: {  	s0 =	sadd.s32 @!p0 $0x100000, s1;
	[bflag:$0x2] =	sbarrier.arrive $0xFFFF  }
0x7d: {  	[sflag:s0] =	ssyncadd.tile.s32 @!p0 $0x1;
	_ =	shalt  }
.Lfunc_end2:
_tile_overlayer_lowered:
.L_overlay_start_2:
0x7e: {  	(tag) =	ssettag $0x2  }
0x7f: {  	s0 =	rddreg [dreg:$0x0];
	s2 =	stileid.u32  }
0x80: {  	s1 =	rddreg [dreg:$0x1];
	p0 =	sne.s32 s2, $0x0  }
0x81: {  	s3 =	rddreg [dreg:$0x2];
	[bflag:$0x3] =	sbarrier.arrive $0xFFFF;
	s2 =	simm.s32 @!p0 $0x1C02  }
0x82: {  	[timem:s3], [sflag:s2] =	dma.local @!p0 [hbm:s0], s1  }
0x83: {  	s0 =	simm.s32 @!p0 $0x2  }
0x84: {  	_ =	swait.ge @!p0 [sflag:s0], s1  }
0x85: {  	s1 =	ssub.s32 @!p0 $0x0, s1;
	[sflag:s0] =	ssyncset.done @!p0 $0x0  }
0x86: {  	[sflag:s0] =	ssyncadd.s32 @!p0 s1  }
0x87: {  	[bflag:$0x3] =	sbarrier.arrive $0xFFFF  }
0x88: {  	_ =	shalt  }

// kernel: kernel.8.cloned.1.call-start
scs
__scs_entry_jumppad:
0x0: {  	(pc) =	sbr.rel $0x88, $3  }
0x1: {  	(tag) =	ssettag $0x0;
	lr =	simm.s32 $0x1  }
0x2: {  	[smem:$0x3F9B] =	sst lr;
	_ =	strace $0xD0000000  }
0x3: {  	_ = 	snop  }
0x4: {  	_ = 	snop  }
0x5: {  	_ = 	snop  }
0x6: {  	_ = 	snop  }
0x7: {  	_ = 	snop  }
__scs_overlays_trampoline_lowered:
0x8: {  	[smem:$0x3FAA] =	sst s0  }
0x9: {  	[smem:$0x3FAB] =	sst s1  }
0xa: {  	[smem:$0x3FAC] =	sst s2  }
0xb: {  	[smem:$0x3FAD] =	sst s3  }
0xc: {  	[smem:$0x3FAE] =	sst s4  }
0xd: {  	[smem:$0x3FAF] =	sst s5  }
0xe: {  	[smem:$0x3FB0] =	sst s6  }
0xf: {  	[smem:$0x3FB1] =	sst s7  }
0x10: {  	[smem:$0x3FB2] =	sst s8  }
0x11: {  	[smem:$0x3FB3] =	sst s9;
	s0 =	simm.s32 @!p0 $0x0  }
0x12: {  	s1 =	sld [smem:$0x3F99];
	s0 =	simm.s32 @p0 $0x1  }
0x13: {  	[smem:$0x3FB4] =	sst s0;
	s0 =	simm.s32 @!p1 $0x0  }
0x14: {  	s2 =	sld [smem:$0x3F98];
	s0 =	simm.s32 @p1 $0x1  }
0x15: {  	[smem:$0x3FB5] =	sst s0;
	s0 =	simm.s32 @!p2 $0x0  }
0x16: {  	s3 =	sld [smem:$0x3FDB];
	s0 =	simm.s32 @p2 $0x1  }
0x17: {  	s4 =	simm.s32 $0x1BF5;
	[smem:$0x3FB7] =	sst s0  }
0x18: {  	s0 =	sld [smem:$0x3F9A];
	_ =	swait.ge [sflag:s4], $0x0  }
0x19: {  	s7 =	sld [smem:$0x3F9B]  }
0x1a: {  	s8 =	sadd.s32 $0xFFFFE003, lr  }
0x1b: {  	s9 =	sadd.s32 $0xFFFFFEF7, lr;
	s5 =	simm.s32 $0xFFFFFFFF;
	p2 =	slt.u32 s8, $0xFFFFF086  }
0x1c: {  	p1 =	slt.u32 s9, $0xF7A;
	s5 =	simm.s32 @!p2 $0x0  }
0x1d: {  	s5 =	simm.s32 @p1 $0x1;
	p0 =	seq.s32 s7, s2  }
0x1e: {  	s7 =	smul.u32 @!p0 $0xF7A, s2;
	p2 =	seq.s32 @!p0 s5, $0x0  }
0x1f: {  	s9 =	smul.u32 $0xF7A, s1;
	s8 =	simm.s32 @!p0 $0x1BF5;
	p2 =	por !p2, p0  }
0x20: {  	[sflag:s8] =	ssyncset.s32 @!p0 $0xFFFFF086;
	s6 =	sadd.s32 @!p0 s3, s7;
	s7 =	simm.s32 @!p0 $0x108  }
0x21: {  	s3 =	sadd.s32 s3, s9;
	s6 =	sadd.s32 @!p0 $0x88, s6;
	s7 =	simm.s32 @p2 $0x1082  }
0x22: {  	[simem:s7], [sflag:s8] =	dma.local @!p0 [hbm:s6], $0xF7A  }
0x23: {  	s9 =	sor.u32 $0xD0000000, s2;
	s6 =	simm.s32 $0x108;
	_ =	swait.ge @!p0 [sflag:s8], $0x0  }
0x24: {  	s3 =	sadd.s32 $0x88, s3;
	s6 =	simm.s32 @!p1 $0x1082;
	[sflag:s4] =	ssyncset.s32 $0xFFFFF086  }
0x25: {  	[simem:s6], [sflag:s4] =	dma.local [hbm:s3], $0xF7A  }
0x26: {  	[smem:$0x3F9B] =	sst s1;
	(tag) =	ssettag s2;
	_ =	strace s9  }
0x27: {  	s1 =	sld [smem:$0x3FAB]  }
0x28: {  	s2 =	sld [smem:$0x3FAC]  }
0x29: {  	s4 =	sld [smem:$0x3FAE]  }
0x2a: {  	p0 =	seq.s32 s5, $0x0;
	s5 =	sld [smem:$0x3FAF]  }
0x2b: {  	s6 =	sld [smem:$0x3FB0]  }
0x2c: {  	s7 =	sld [smem:$0x3FB1]  }
0x2d: {  	s3 =	simm.s32 $0x108;
	s8 =	sld [smem:$0x3FB2]  }
0x2e: {  	s3 =	simm.s32 @!p0 $0x1082;
	s9 =	sld [smem:$0x3FB3]  }
0x2f: {  	lr =	sadd.s32 s0, s3;
	s0 =	sld [smem:$0x3FAA]  }
0x30: {  	s3 =	sld [smem:$0x3FAD]  }
0x31: {  	[smem:$0x3FB6] =	sst s10  }
0x32: {  	s10 =	sld [smem:$0x3FB4];
	_ =	sdelay $0x3  }
0x33: {  	p0 =	seq.s32 s10, $0x1;
	s10 =	sld [smem:$0x3FB6];
	_ =	sdelay $0x3  }
0x34: {  	[smem:$0x3FB6] =	sst s10  }
0x35: {  	s10 =	sld [smem:$0x3FB5];
	_ =	sdelay $0x3  }
0x36: {  	p1 =	seq.s32 s10, $0x1;
	s10 =	sld [smem:$0x3FB6];
	_ =	sdelay $0x3  }
0x37: {  	[smem:$0x3FB6] =	sst s10  }
0x38: {  	s10 =	sld [smem:$0x3FB7]  }
0x39: {  	_ = 	snop;
	(pc) =	sbr.ind lr, $3  }
0x3a: {  	_ = 	snop  }
0x3b: {  	_ = 	snop  }
0x3c: {  	p2 =	seq.s32 s10, $0x1;
	s10 =	sld [smem:$0x3FB6]  }
0x3d: {  	_ =	shalt  }
0x3e: {  	_ =	shalt  }
0x3f: {  	_ =	shalt  }
0x40: {  	_ =	shalt  }
0x41: {  	_ =	shalt  }
0x42: {  	_ =	shalt  }
0x43: {  	_ =	shalt  }
0x44: {  	_ =	shalt  }
0x45: {  	_ =	shalt  }
0x46: {  	_ =	shalt  }
0x47: {  	_ =	shalt  }
0x48: {  	_ =	shalt  }
0x49: {  	_ =	shalt  }
0x4a: {  	_ =	shalt  }
0x4b: {  	_ =	shalt  }
0x4c: {  	_ =	shalt  }
0x4d: {  	_ =	shalt  }
0x4e: {  	_ =	shalt  }
0x4f: {  	_ =	shalt  }
0x50: {  	_ =	shalt  }
0x51: {  	_ =	shalt  }
0x52: {  	_ =	shalt  }
0x53: {  	_ =	shalt  }
0x54: {  	_ =	shalt  }
0x55: {  	_ =	shalt  }
0x56: {  	_ =	shalt  }
0x57: {  	_ =	shalt  }
0x58: {  	_ =	shalt  }
0x59: {  	_ =	shalt  }
0x5a: {  	_ =	shalt  }
0x5b: {  	_ =	shalt  }
0x5c: {  	_ =	shalt  }
0x5d: {  	_ =	shalt  }
0x5e: {  	_ =	shalt  }
0x5f: {  	_ =	shalt  }
0x60: {  	_ =	shalt  }
0x61: {  	_ =	shalt  }
0x62: {  	_ =	shalt  }
0x63: {  	_ =	shalt  }
0x64: {  	_ =	shalt  }
0x65: {  	_ =	shalt  }
0x66: {  	_ =	shalt  }
0x67: {  	_ =	shalt  }
0x68: {  	_ =	shalt  }
0x69: {  	_ =	shalt  }
0x6a: {  	_ =	shalt  }
0x6b: {  	_ =	shalt  }
0x6c: {  	_ =	shalt  }
0x6d: {  	_ =	shalt  }
0x6e: {  	_ =	shalt  }
0x6f: {  	_ =	shalt  }
0x70: {  	_ =	shalt  }
0x71: {  	_ =	shalt  }
0x72: {  	_ =	shalt  }
0x73: {  	_ =	shalt  }
0x74: {  	_ =	shalt  }
0x75: {  	_ =	shalt  }
0x76: {  	_ =	shalt  }
0x77: {  	_ =	shalt  }
0x78: {  	_ =	shalt  }
0x79: {  	_ =	shalt  }
0x7a: {  	_ =	shalt  }
0x7b: {  	_ =	shalt  }
0x7c: {  	_ =	shalt  }
0x7d: {  	_ =	shalt  }
0x7e: {  	_ =	shalt  }
0x7f: {  	_ =	shalt  }
0x80: {  	_ =	shalt  }
0x81: {  	_ =	shalt  }
0x82: {  	_ =	shalt  }
0x83: {  	_ =	shalt  }
0x84: {  	_ =	shalt  }
0x85: {  	_ =	shalt  }
0x86: {  	_ =	shalt  }
0x87: {  	_ =	shalt  }
.Lfunc_end0:
.L_simem_size_0:
called_computation_lowered:
.L_overlay_start_0:
0x88: {  	s2 =	sld [smem:$0x3FD9]  }
0x89: {  	s3 =	sld [smem:$0x3FFE];
	_ =	sdelay $0x1  }
0x8a: {  	s1 =	srdreg.scid  }
0x8b: {  	s0 =	sand.u32 $0x1, s1  }
0x8c: {  	s17 =	sshll.u32 s0, $0xA;
	s2 =	sadd.s32 s3, s2  }
0x8d: {  	s2 =	sadd.s32 s2, s17  }
0x8e: {  	[smem:$0x3FC2] =	sst s2  }
0x8f: {  	_ = 	snop  }
0x90: {  	s2 =	sld [smem:$0x3FD0];
	(tm) =	ssettm $0x1  }
0x91: {  	s18 =	sld [smem:$0x3FFB];
	_ =	sdelay $0x3  }
0x92: {  	_ =	strace s18  }
0x93: {  	s3 =	sld [smem:$0x3FFC];
	_ =	sdelay $0x3  }
0x94: {  	_ =	strace s3  }
0x95: {  	s3 =	sld [smem:$0x3FFD];
	_ =	sdelay $0x3  }
0x96: {  	_ =	strace s3  }
0x97: {  	_ =	strace $0x8FFFFFFF  }
0x98: {  	s19 =	sld [smem:$0x3FDB];
	_ =	sdelay $0x1  }
0x99: {  	s4 =	simm.s32 $_scs_section_size  }
0x9a: {  	s5 =	simm.s32 $_size__tile_overlayer_lowered;
	s6 =	simm.s32 $_tile_overlayer_lowered  }
0x9b: {  	s22 =	simm.s32 $0x1BFF;
	s21 =	sshll.u32 s6, $0x1;
	s3 =	sadd.s32 s4, s19  }
0x9c: {  	s7 =	simm.s32 $0x0;
	s20 =	sshll.u32 s5, $0x1;
	s5 =	sadd.s32 s21, s3  }
0x9d: {  	[timem:s7], [sflag:s22] =	dma.local [hbm:s5], s20  }
0x9e: {  	_ =	swait.ge [sflag:s22], s20  }
0x9f: {  	s4 =	ssub.s32 $0x0, s20;
	[sflag:s22] =	ssyncset.done $0x0  }
0xa0: {  	[sflag:s22] =	ssyncadd.s32 s4;
	_ =	sdelay $0x1  }
0xa1: {  	s23 =	simm.s32 $0x1B8B  }
0xa2: {  	_ =	swait.ge [sflag:s23], $0x1  }
0xa3: {  	[sflag:s23] =	ssyncset.done $0x0  }
0xa4: {  	s25 =	simm.s32 $0x1B8E;
	s24 =	sld [smem:$0x3FFE];
	[sflag:s23] =	ssyncadd.s32 $0xFFFFFFFF  }
0xa5: {  	s26 =	simm.s32 $execute0_lowered;
	[smem:$0x3FD2] =	sst s25  }
0xa6: {  	s5 =	sshll.u32 s26, $0x1;
	_ =	strace $0x80000046;
	[dreg:$0x1] =	wrdreg $0xFFFFFFFF  }
0xa7: {  	s28 =	simm.s32 $_size_execute0_lowered;
	s3 =	sadd.s32 s3, s5;
	[dreg:$0x0] =	wrdreg $0x0  }
0xa8: {  	s5 =	sshll.u32 s28, $0x1;
	[dreg:$0x2] =	wrdreg s3  }
0xa9: {  	[dreg:$0x3] =	wrdreg s5  }
0xaa: {  	[dreg:$0x4] =	wrdreg $0xC0  }
0xab: {  	_ =	task [dreg:s7], $0x5FFFF  }
0xac: {  	[dreg:$0x1] =	wrdreg $0xFFFFFFFF  }
0xad: {  	[dreg:$0x0] =	wrdreg $0x60  }
0xae: {  	[dreg:$0x2] =	wrdreg s2  }
0xaf: {  	[dreg:$0x3] =	wrdreg s24  }
0xb0: {  	[dreg:$0x4] =	wrdreg $0x43000  }
0xb1: {  	[dreg:$0x5] =	wrdreg $0x9  }
0xb2: {  	_ =	task.clear_ibuf [dreg:s7], $0x6FFFF;
	_ =	strace $0x90000046  }
0xb3: {  	s29 =	simm.s32 $0x9;
	_ =	strace $0x80000048  }
0xb4: {  	_ =	swait.ge [sflag:s29], $0x1  }
0xb5: {  	[sflag:s29] =	ssyncadd.s32 $0xFFFFFFFF  }
0xb6: {  	_ =	strace $0x90000048  }
0xb7: {  	_ =	sfence  }
0xb8: {  	s30 =	sld [smem:$0x0];
	_ =	sdelay $0x2  }
0xb9: {  	s31 =	sshll.u32 s1, $0xD;
	s1 =	sshrl.u32 s1, $0x2  }
0xba: {  	s3 =	sand.u32 $0x4000, s31;
	s1 =	sadd.s32 s1, s30  }
0xbb: {  	s0 =	sor.u32 s3, s0;
	s1 =	sshll.u32 s1, $0x11  }
0xbc: {  	s0 =	sor.u32 s1, s0  }
0xbd: {  	s0 =	sadd.s32 $0x8F2B, s0  }
0xbe: {  	[sflag:s0] =	ssyncadd.remote.s32 $0x1  }
0xbf: {  	_ =	sfence.sel $0xFFFF  }
0xc0: {  	[dreg:$0x0] =	wrdreg $0xFFFFFFFF;
	(pc) =	sbr.abs _section_cstart, $3  }
0xc1: {  	[dreg:$0x1] =	wrdreg $0xFFFFFFFF  }
0xc2: {  	_ =	task.clear_ibuf [dreg:s7], $0x2FFFF;
	_ =	strace $0x9FFFFFFF  }
0xc3: {  	(tm) =	ssettm $0x7FFFFFFF  }
tec
execute0_lowered:
.L_overlay_start_1:
0x0: {  	(tag) =	ssettag $0x1  }
0x1: {  	s4 =	rddreg [dreg:$0x0]  }
0x2: {  	s5 =	rddreg [dreg:$0x1]  }
0x3: {  	s2 =	rddreg [dreg:$0x2]  }
0x4: {  	s0 =	rddreg [dreg:$0x3];
	s6 =	srdreg.scid  }
0x5: {  	s1 =	stileid.u32;
	s3 =	simm.s32 $0x0;
	s11 =	simm.s32 $0x4000  }
0x6: {  	s12 =	simm.s32 $0x1;
	s15 =	simm.s32 $0x20;
	s16 =	simm.s32 $0x10  }
0x7: {  	s17 =	simm.s32 $0x0;
	s6 =	sand.u32 $0x1, s6;
	s7 =	smul.u32 $0x500, s1  }
0x8: {  	[smem:$0x7FF] =	sst s3;
	s10 =	smul.u32 $0xA00, s1;
	s30 =	sshll.u32 s1, $0xB  }
0x9: {  	s13 =	sshll.u32 s1, $0x6;
	s8 =	sshll.u32 s6, $0x7;
	_ =	strace $0x80000047  }
0xa: {  	s29 =	ssub.s32 $0x2, s6;
	s6 =	sshll.u32 s6, $0xF;
	s13 =	sor.u32 $0x1C02, s13  }
0xb: {  	s7 =	sor.u32 s8, s7;
	s9 =	sshrl.u32 s29, $0x1;
	s31 =	sshrl.u32 s10, $0x2  }
0xc: {  	s10 =	simm.s32 $0x50;
	s7 =	sshrl.u32 s7, $0x3;
	s8 =	ssub.s32 s29, s9  }
0xd: {  	s9 =	simm.s32 $0x2;
	s7 =	sadd.s32 s7, s5;
	s5 =	sadd.s32 s4, s30  }
0xe: {  	s4 =	sadd.s32 s31, s2;
	s5 =	sadd.s32 s6, s5;
	s6 =	sadd.s32 $0x16000, s7  }
0xf: {  	v0 =	vimm.f32 $1.000000000e+00;
	v1 =	vimm.f32 $0.0e+00;
	s7 =	smax.u32 s8, $0x1;
	s8 =	simm.s32 $0x4080;
	s14 =	sshrl.u32 s4, $0x3  }
.LBB2_1:
0x10: {  	[tilespmem:$0x4000] =	vst v0  }
0x11: {  	[tilespmem:$0x4010] =	vst v0  }
0x12: {  	[tilespmem:$0x4020] =	vst v0  }
0x13: {  	[tilespmem:$0x4030] =	vst v0  }
0x14: {  	[tilespmem:$0x4040] =	vst v0  }
0x15: {  	[tilespmem:$0x4080] =	vst v1  }
0x16: {  	[tilespmem:$0x4090] =	vst v1  }
0x17: {  	[tilespmem:$0x40A0] =	vst v1  }
0x18: {  	[tilespmem:$0x40B0] =	vst v1  }
0x19: {  	[tilespmem:$0x40C0] =	vst v1  }
0x1a: {  	[tilespmem:$0x40D0] =	vst v1  }
0x1b: {  	[tilespmem:$0x40E0] =	vst v1  }
0x1c: {  	[tilespmem:$0x40F0] =	vst v1  }
0x1d: {  	[tilespmem:$0x4100] =	vst v1  }
0x1e: {  	[tilespmem:$0x4110] =	vst v1  }
0x1f: {  	[tilespmem:$0x4120] =	vst v1  }
0x20: {  	[tilespmem:$0x4130] =	vst v1  }
0x21: {  	[tilespmem:$0x4140] =	vst v1  }
0x22: {  	[tilespmem:$0x4150] =	vst v1  }
0x23: {  	[tilespmem:$0x4160] =	vst v1  }
0x24: {  	[tilespmem:$0x4170] =	vst v1  }
0x25: {  	[tilespmem:$0x4180] =	vst v1  }
0x26: {  	[tilespmem:$0x4190] =	vst v1  }
0x27: {  	[tilespmem:$0x41A0] =	vst v1  }
0x28: {  	[tilespmem:$0x41B0] =	vst v1  }
0x29: {  	[tilespmem:$0x41C0] =	vst v1  }
0x2a: {  	[tilespmem:$0x41D0] =	vst v1  }
0x2b: {  	[tilespmem:$0x41E0] =	vst v1  }
0x2c: {  	[tilespmem:$0x41F0] =	vst v1  }
0x2d: {  	[tilespmem:$0x4200] =	vst v1  }
0x2e: {  	[tilespmem:$0x4210] =	vst v1  }
0x2f: {  	[tilespmem:$0x4220] =	vst v1  }
0x30: {  	[tilespmem:$0x4230] =	vst v1  }
0x31: {  	[tilespmem:$0x4240] =	vst v1  }
0x32: {  	[tilespmem:$0x4250] =	vst v1  }
0x33: {  	[tilespmem:$0x4260] =	vst v1  }
0x34: {  	[tilespmem:$0x4270] =	vst v1  }
0x35: {  	[tilespmem:$0x4280] =	vst v1  }
0x36: {  	[tilespmem:$0x4290] =	vst v1  }
0x37: {  	[tilespmem:$0x42A0] =	vst v1  }
0x38: {  	[tilespmem:$0x42B0] =	vst v1  }
0x39: {  	[tilespmem:$0x42C0] =	vst v1  }
0x3a: {  	[tilespmem:$0x42D0] =	vst v1  }
0x3b: {  	[tilespmem:$0x42E0] =	vst v1  }
0x3c: {  	[tilespmem:$0x42F0] =	vst v1  }
0x3d: {  	[spmem:s4] =	stream.linear.scatter [tilespmem:s8], [sflag:$0x2], $0x280, $0x38;
	[tilespmem:$0x4580] =	vst v63  }
0x3e: {  	_ =	swait.ge [sflag:s9], $0x280  }
0x3f: {  	[sflag:s9] =	ssyncset.done $0x0  }
0x40: {  	[sflag:s9] =	ssyncadd.s32 $0xFFFFFD80  }
0x41: {  	[tilespmem:s3], [sflag:$0x2] =	stream.linear.gather [hbm4b:s5+s3], $0x3E80, $0x38;
	[tilespmem:$0x4580] =	vst v63  }
0x42: {  	_ =	swait.ge [sflag:s9], $0x3E80  }
0x43: {  	[sflag:s9] =	ssyncset.done $0x0  }
0x44: {  	[sflag:s9] =	ssyncadd.s32 $0xFFFFC180  }
0x45: {  	s18 =	simm.s32 $0x0;
	[bflag:$0x0] =	sbarrier.arrive $0xFFFF  }
0x46: {  	[spmem:s2] =	stream.indirect.scatter.add.f32 [tilespmem:s11], [sflag:$0x1], $0x1, s18, s10, $0xb8;
	[tilespmem:$0x4580] =	vst v63  }
0x47: {  	s19 =	simm.s32 $0x80  }
0x48: {  	[spmem:s2] =	stream.indirect.scatter.add.f32 [tilespmem:s11], [sflag:$0x1], $0x1, s19, s10, $0xb8;
	[tilespmem:$0x4580] =	vst v63  }
0x49: {  	s20 =	simm.s32 $0x100  }
0x4a: {  	[spmem:s2] =	stream.indirect.scatter.add.f32 [tilespmem:s11], [sflag:$0x1], $0x1, s20, s10, $0xb8;
	[tilespmem:$0x4580] =	vst v63  }
0x4b: {  	s21 =	simm.s32 $0x180  }
0x4c: {  	[spmem:s2] =	stream.indirect.scatter.add.f32 [tilespmem:s11], [sflag:$0x1], $0x1, s21, s10, $0xb8;
	[tilespmem:$0x4580] =	vst v63  }
0x4d: {  	s22 =	simm.s32 $0x200  }
0x4e: {  	[spmem:s2] =	stream.indirect.scatter.add.f32 [tilespmem:s11], [sflag:$0x1], $0x1, s22, s10, $0xb8;
	[tilespmem:$0x4580] =	vst v63  }
0x4f: {  	s23 =	simm.s32 $0x280  }
0x50: {  	[spmem:s2] =	stream.indirect.scatter.add.f32 [tilespmem:s11], [sflag:$0x1], $0x1, s23, s10, $0xb8;
	[tilespmem:$0x4580] =	vst v63  }
0x51: {  	s24 =	simm.s32 $0x300  }
0x52: {  	[spmem:s2] =	stream.indirect.scatter.add.f32 [tilespmem:s11], [sflag:$0x1], $0x1, s24, s10, $0xb8;
	[tilespmem:$0x4580] =	vst v63  }
0x53: {  	s25 =	simm.s32 $0x380  }
0x54: {  	[spmem:s2] =	stream.indirect.scatter.add.f32 [tilespmem:s11], [sflag:$0x1], $0x1, s25, s10, $0xb8;
	[tilespmem:$0x4580] =	vst v63  }
0x55: {  	s26 =	simm.s32 $0x400  }
0x56: {  	[spmem:s2] =	stream.indirect.scatter.add.f32 [tilespmem:s11], [sflag:$0x1], $0x1, s26, s10, $0xb8;
	[tilespmem:$0x4580] =	vst v63  }
0x57: {  	s28 =	simm.s32 $0x480  }
0x58: {  	[spmem:s2] =	stream.indirect.scatter.add.f32 [tilespmem:s11], [sflag:$0x1], $0x1, s28, s10, $0xb8;
	[tilespmem:$0x4580] =	vst v63  }
0x59: {  	s29 =	simm.s32 $0x500  }
0x5a: {  	[spmem:s2] =	stream.indirect.scatter.add.f32 [tilespmem:s11], [sflag:$0x1], $0x1, s29, s10, $0xb8;
	[tilespmem:$0x4580] =	vst v63  }
0x5b: {  	s30 =	simm.s32 $0x580  }
0x5c: {  	[spmem:s2] =	stream.indirect.scatter.add.f32 [tilespmem:s11], [sflag:$0x1], $0x1, s30, s10, $0xb8;
	[tilespmem:$0x4580] =	vst v63  }
0x5d: {  	s31 =	simm.s32 $0x600  }
0x5e: {  	[spmem:s2] =	stream.indirect.scatter.add.f32 [tilespmem:s11], [sflag:$0x1], $0x1, s31, s10, $0xb8;
	[tilespmem:$0x4580] =	vst v63  }
0x5f: {  	s19 =	simm.s32 $0x680  }
0x60: {  	[spmem:s2] =	stream.indirect.scatter.add.f32 [tilespmem:s11], [sflag:$0x1], $0x1, s19, s10, $0xb8;
	[tilespmem:$0x4580] =	vst v63  }
0x61: {  	s20 =	simm.s32 $0x700  }
0x62: {  	[spmem:s2] =	stream.indirect.scatter.add.f32 [tilespmem:s11], [sflag:$0x1], $0x1, s20, s10, $0xb8;
	[tilespmem:$0x4580] =	vst v63  }
0x63: {  	s21 =	simm.s32 $0x780  }
0x64: {  	[spmem:s2] =	stream.indirect.scatter.add.f32 [tilespmem:s11], [sflag:$0x1], $0x1, s21, s10, $0xb8;
	[tilespmem:$0x4580] =	vst v63  }
0x65: {  	s22 =	simm.s32 $0x800  }
0x66: {  	[spmem:s2] =	stream.indirect.scatter.add.f32 [tilespmem:s11], [sflag:$0x1], $0x1, s22, s10, $0xb8;
	[tilespmem:$0x4580] =	vst v63  }
0x67: {  	s23 =	simm.s32 $0x880  }
0x68: {  	[spmem:s2] =	stream.indirect.scatter.add.f32 [tilespmem:s11], [sflag:$0x1], $0x1, s23, s10, $0xb8;
	[tilespmem:$0x4580] =	vst v63  }
0x69: {  	s24 =	simm.s32 $0x900  }
0x6a: {  	[spmem:s2] =	stream.indirect.scatter.add.f32 [tilespmem:s11], [sflag:$0x1], $0x1, s24, s10, $0xb8;
	[tilespmem:$0x4580] =	vst v63  }
0x6b: {  	s25 =	simm.s32 $0x980  }
0x6c: {  	[spmem:s2] =	stream.indirect.scatter.add.f32 [tilespmem:s11], [sflag:$0x1], $0x1, s25, s10, $0xb8;
	[tilespmem:$0x4580] =	vst v63  }
0x6d: {  	s26 =	simm.s32 $0xA00  }
0x6e: {  	[spmem:s2] =	stream.indirect.scatter.add.f32 [tilespmem:s11], [sflag:$0x1], $0x1, s26, s10, $0xb8;
	[tilespmem:$0x4580] =	vst v63  }
0x6f: {  	s28 =	simm.s32 $0xA80  }
0x70: {  	[spmem:s2] =	stream.indirect.scatter.add.f32 [tilespmem:s11], [sflag:$0x1], $0x1, s28, s10, $0xb8;
	[tilespmem:$0x4580] =	vst v63  }
0x71: {  	s29 =	simm.s32 $0xB00  }
0x72: {  	[spmem:s2] =	stream.indirect.scatter.add.f32 [tilespmem:s11], [sflag:$0x1], $0x1, s29, s10, $0xb8;
	[tilespmem:$0x4580] =	vst v63  }
0x73: {  	s30 =	simm.s32 $0xB80  }
0x74: {  	[spmem:s2] =	stream.indirect.scatter.add.f32 [tilespmem:s11], [sflag:$0x1], $0x1, s30, s10, $0xb8;
	[tilespmem:$0x4580] =	vst v63  }
0x75: {  	s31 =	simm.s32 $0xC00  }
0x76: {  	[spmem:s2] =	stream.indirect.scatter.add.f32 [tilespmem:s11], [sflag:$0x1], $0x1, s31, s10, $0xb8;
	[tilespmem:$0x4580] =	vst v63  }
0x77: {  	_ =	swait.ge [sflag:s12], $0x50  }
0x78: {  	[sflag:s12] =	ssyncset.done $0x0  }
0x79: {  	[sflag:s12] =	ssyncadd.s32 $0xFFFFFFB0  }
0x7a: {  	_ =	swait.ge [sflag:s12], $0x50  }
0x7b: {  	[sflag:s12] =	ssyncset.done $0x0  }
0x7c: {  	[sflag:s12] =	ssyncadd.s32 $0xFFFFFFB0  }
0x7d: {  	_ =	swait.ge [sflag:s12], $0x50  }
0x7e: {  	[sflag:s12] =	ssyncset.done $0x0  }
0x7f: {  	[sflag:s12] =	ssyncadd.s32 $0xFFFFFFB0  }
0x80: {  	_ =	swait.ge [sflag:s12], $0x50  }
0x81: {  	[sflag:s12] =	ssyncset.done $0x0  }
0x82: {  	[sflag:s12] =	ssyncadd.s32 $0xFFFFFFB0  }
0x83: {  	_ =	swait.ge [sflag:s12], $0x50  }
0x84: {  	[sflag:s12] =	ssyncset.done $0x0  }
0x85: {  	[sflag:s12] =	ssyncadd.s32 $0xFFFFFFB0  }
0x86: {  	_ =	swait.ge [sflag:s12], $0x50  }
0x87: {  	[sflag:s12] =	ssyncset.done $0x0  }
0x88: {  	[sflag:s12] =	ssyncadd.s32 $0xFFFFFFB0  }
0x89: {  	_ =	swait.ge [sflag:s12], $0x50  }
0x8a: {  	[sflag:s12] =	ssyncset.done $0x0  }
0x8b: {  	[sflag:s12] =	ssyncadd.s32 $0xFFFFFFB0  }
0x8c: {  	_ =	swait.ge [sflag:s12], $0x50  }
0x8d: {  	[sflag:s12] =	ssyncset.done $0x0  }
0x8e: {  	[sflag:s12] =	ssyncadd.s32 $0xFFFFFFB0  }
0x8f: {  	_ =	swait.ge [sflag:s12], $0x50  }
0x90: {  	[sflag:s12] =	ssyncset.done $0x0  }
0x91: {  	[sflag:s12] =	ssyncadd.s32 $0xFFFFFFB0  }
0x92: {  	_ =	swait.ge [sflag:s12], $0x50  }
0x93: {  	[sflag:s12] =	ssyncset.done $0x0  }
0x94: {  	[sflag:s12] =	ssyncadd.s32 $0xFFFFFFB0  }
0x95: {  	_ =	swait.ge [sflag:s12], $0x50  }
0x96: {  	[sflag:s12] =	ssyncset.done $0x0  }
0x97: {  	[sflag:s12] =	ssyncadd.s32 $0xFFFFFFB0  }
0x98: {  	_ =	swait.ge [sflag:s12], $0x50  }
0x99: {  	[sflag:s12] =	ssyncset.done $0x0  }
0x9a: {  	[sflag:s12] =	ssyncadd.s32 $0xFFFFFFB0  }
0x9b: {  	_ =	swait.ge [sflag:s12], $0x50  }
0x9c: {  	[sflag:s12] =	ssyncset.done $0x0  }
0x9d: {  	[sflag:s12] =	ssyncadd.s32 $0xFFFFFFB0  }
0x9e: {  	_ =	swait.ge [sflag:s12], $0x50  }
0x9f: {  	[sflag:s12] =	ssyncset.done $0x0  }
0xa0: {  	[sflag:s12] =	ssyncadd.s32 $0xFFFFFFB0  }
0xa1: {  	_ =	swait.ge [sflag:s12], $0x50  }
0xa2: {  	[sflag:s12] =	ssyncset.done $0x0  }
0xa3: {  	[sflag:s12] =	ssyncadd.s32 $0xFFFFFFB0  }
0xa4: {  	_ =	swait.ge [sflag:s12], $0x50  }
0xa5: {  	[sflag:s12] =	ssyncset.done $0x0  }
0xa6: {  	[sflag:s12] =	ssyncadd.s32 $0xFFFFFFB0  }
0xa7: {  	_ =	swait.ge [sflag:s12], $0x50  }
0xa8: {  	[sflag:s12] =	ssyncset.done $0x0  }
0xa9: {  	[sflag:s12] =	ssyncadd.s32 $0xFFFFFFB0  }
0xaa: {  	_ =	swait.ge [sflag:s12], $0x50  }
0xab: {  	[sflag:s12] =	ssyncset.done $0x0  }
0xac: {  	[sflag:s12] =	ssyncadd.s32 $0xFFFFFFB0  }
0xad: {  	_ =	swait.ge [sflag:s12], $0x50  }
0xae: {  	[sflag:s12] =	ssyncset.done $0x0  }
0xaf: {  	[sflag:s12] =	ssyncadd.s32 $0xFFFFFFB0  }
0xb0: {  	_ =	swait.ge [sflag:s12], $0x50  }
0xb1: {  	[sflag:s12] =	ssyncset.done $0x0  }
0xb2: {  	[sflag:s12] =	ssyncadd.s32 $0xFFFFFFB0  }
0xb3: {  	_ =	swait.ge [sflag:s12], $0x50  }
0xb4: {  	[sflag:s12] =	ssyncset.done $0x0  }
0xb5: {  	[sflag:s12] =	ssyncadd.s32 $0xFFFFFFB0  }
0xb6: {  	_ =	swait.ge [sflag:s12], $0x50  }
0xb7: {  	[sflag:s12] =	ssyncset.done $0x0  }
0xb8: {  	[sflag:s12] =	ssyncadd.s32 $0xFFFFFFB0  }
0xb9: {  	_ =	swait.ge [sflag:s12], $0x50  }
0xba: {  	[sflag:s12] =	ssyncset.done $0x0  }
0xbb: {  	[sflag:s12] =	ssyncadd.s32 $0xFFFFFFB0  }
0xbc: {  	_ =	swait.ge [sflag:s12], $0x50  }
0xbd: {  	[sflag:s12] =	ssyncset.done $0x0  }
0xbe: {  	[sflag:s12] =	ssyncadd.s32 $0xFFFFFFB0  }
0xbf: {  	_ =	swait.ge [sflag:s12], $0x50  }
0xc0: {  	s18 =	simm.s32 $0x3200;
	s21 =	simm.s32 $0x6400;
	[sflag:s12] =	ssyncset.done $0x0  }
.LBB2_2:
0xc1: {  	s20 =	sshra.s32 s18, $0x2  }
0xc2: {  	[sflag:s12] =	ssyncadd.s32 $0xFFFFFFB0;
	s18 =	smov.u32 s21;
	s19 =	sadd.s32 $0x3200, s21  }
0xc3: {  	[spmem:s2] =	stream.indirect.scatter.add.f32 [tilespmem:s11], [sflag:$0x1], $0x1, s20, s10, $0xb8;
	[tilespmem:$0x4580] =	vst v63  }
0xc4: {  	p0 =	sne.s32 s21, $0xC800;
	s21 =	sadd.s32 $0x80, s20  }
0xc5: {  	[spmem:s2] =	stream.indirect.scatter.add.f32 [tilespmem:s11], [sflag:$0x1], $0x1, s21, s10, $0xb8;
	[tilespmem:$0x4580] =	vst v63  }
0xc6: {  	s21 =	sadd.s32 $0x100, s20  }
0xc7: {  	[spmem:s2] =	stream.indirect.scatter.add.f32 [tilespmem:s11], [sflag:$0x1], $0x1, s21, s10, $0xb8;
	[tilespmem:$0x4580] =	vst v63  }
0xc8: {  	s21 =	sadd.s32 $0x180, s20  }
0xc9: {  	[spmem:s2] =	stream.indirect.scatter.add.f32 [tilespmem:s11], [sflag:$0x1], $0x1, s21, s10, $0xb8;
	[tilespmem:$0x4580] =	vst v63  }
0xca: {  	s21 =	sadd.s32 $0x200, s20  }
0xcb: {  	[spmem:s2] =	stream.indirect.scatter.add.f32 [tilespmem:s11], [sflag:$0x1], $0x1, s21, s10, $0xb8;
	[tilespmem:$0x4580] =	vst v63  }
0xcc: {  	s21 =	sadd.s32 $0x280, s20  }
0xcd: {  	[spmem:s2] =	stream.indirect.scatter.add.f32 [tilespmem:s11], [sflag:$0x1], $0x1, s21, s10, $0xb8;
	[tilespmem:$0x4580] =	vst v63  }
0xce: {  	s21 =	sadd.s32 $0x300, s20  }
0xcf: {  	[spmem:s2] =	stream.indirect.scatter.add.f32 [tilespmem:s11], [sflag:$0x1], $0x1, s21, s10, $0xb8;
	[tilespmem:$0x4580] =	vst v63  }
0xd0: {  	s21 =	sadd.s32 $0x380, s20  }
0xd1: {  	[spmem:s2] =	stream.indirect.scatter.add.f32 [tilespmem:s11], [sflag:$0x1], $0x1, s21, s10, $0xb8;
	[tilespmem:$0x4580] =	vst v63  }
0xd2: {  	s21 =	sadd.s32 $0x400, s20  }
0xd3: {  	[spmem:s2] =	stream.indirect.scatter.add.f32 [tilespmem:s11], [sflag:$0x1], $0x1, s21, s10, $0xb8;
	[tilespmem:$0x4580] =	vst v63  }
0xd4: {  	s21 =	sadd.s32 $0x480, s20  }
0xd5: {  	[spmem:s2] =	stream.indirect.scatter.add.f32 [tilespmem:s11], [sflag:$0x1], $0x1, s21, s10, $0xb8;
	[tilespmem:$0x4580] =	vst v63  }
0xd6: {  	s21 =	sadd.s32 $0x500, s20  }
0xd7: {  	[spmem:s2] =	stream.indirect.scatter.add.f32 [tilespmem:s11], [sflag:$0x1], $0x1, s21, s10, $0xb8;
	[tilespmem:$0x4580] =	vst v63  }
0xd8: {  	s21 =	sadd.s32 $0x580, s20  }
0xd9: {  	[spmem:s2] =	stream.indirect.scatter.add.f32 [tilespmem:s11], [sflag:$0x1], $0x1, s21, s10, $0xb8;
	[tilespmem:$0x4580] =	vst v63  }
0xda: {  	s21 =	sadd.s32 $0x600, s20  }
0xdb: {  	[spmem:s2] =	stream.indirect.scatter.add.f32 [tilespmem:s11], [sflag:$0x1], $0x1, s21, s10, $0xb8;
	[tilespmem:$0x4580] =	vst v63  }
0xdc: {  	s21 =	sadd.s32 $0x680, s20  }
0xdd: {  	[spmem:s2] =	stream.indirect.scatter.add.f32 [tilespmem:s11], [sflag:$0x1], $0x1, s21, s10, $0xb8;
	[tilespmem:$0x4580] =	vst v63  }
0xde: {  	s21 =	sadd.s32 $0x700, s20  }
0xdf: {  	[spmem:s2] =	stream.indirect.scatter.add.f32 [tilespmem:s11], [sflag:$0x1], $0x1, s21, s10, $0xb8;
	[tilespmem:$0x4580] =	vst v63  }
0xe0: {  	s21 =	sadd.s32 $0x780, s20  }
0xe1: {  	[spmem:s2] =	stream.indirect.scatter.add.f32 [tilespmem:s11], [sflag:$0x1], $0x1, s21, s10, $0xb8;
	[tilespmem:$0x4580] =	vst v63  }
0xe2: {  	s21 =	sadd.s32 $0x800, s20  }
0xe3: {  	[spmem:s2] =	stream.indirect.scatter.add.f32 [tilespmem:s11], [sflag:$0x1], $0x1, s21, s10, $0xb8;
	[tilespmem:$0x4580] =	vst v63  }
0xe4: {  	s21 =	sadd.s32 $0x880, s20  }
0xe5: {  	[spmem:s2] =	stream.indirect.scatter.add.f32 [tilespmem:s11], [sflag:$0x1], $0x1, s21, s10, $0xb8;
	[tilespmem:$0x4580] =	vst v63  }
0xe6: {  	s21 =	sadd.s32 $0x900, s20  }
0xe7: {  	[spmem:s2] =	stream.indirect.scatter.add.f32 [tilespmem:s11], [sflag:$0x1], $0x1, s21, s10, $0xb8;
	[tilespmem:$0x4580] =	vst v63  }
0xe8: {  	s21 =	sadd.s32 $0x980, s20  }
0xe9: {  	[spmem:s2] =	stream.indirect.scatter.add.f32 [tilespmem:s11], [sflag:$0x1], $0x1, s21, s10, $0xb8;
	[tilespmem:$0x4580] =	vst v63  }
0xea: {  	s21 =	sadd.s32 $0xA00, s20  }
0xeb: {  	[spmem:s2] =	stream.indirect.scatter.add.f32 [tilespmem:s11], [sflag:$0x1], $0x1, s21, s10, $0xb8;
	[tilespmem:$0x4580] =	vst v63  }
0xec: {  	s21 =	sadd.s32 $0xA80, s20  }
0xed: {  	[spmem:s2] =	stream.indirect.scatter.add.f32 [tilespmem:s11], [sflag:$0x1], $0x1, s21, s10, $0xb8;
	[tilespmem:$0x4580] =	vst v63  }
0xee: {  	s21 =	sadd.s32 $0xB00, s20  }
0xef: {  	[spmem:s2] =	stream.indirect.scatter.add.f32 [tilespmem:s11], [sflag:$0x1], $0x1, s21, s10, $0xb8;
	[tilespmem:$0x4580] =	vst v63  }
0xf0: {  	s21 =	sadd.s32 $0xB80, s20  }
0xf1: {  	[spmem:s2] =	stream.indirect.scatter.add.f32 [tilespmem:s11], [sflag:$0x1], $0x1, s21, s10, $0xb8;
	[tilespmem:$0x4580] =	vst v63  }
0xf2: {  	s20 =	sadd.s32 $0xC00, s20  }
0xf3: {  	[spmem:s2] =	stream.indirect.scatter.add.f32 [tilespmem:s11], [sflag:$0x1], $0x1, s20, s10, $0xb8;
	[tilespmem:$0x4580] =	vst v63  }
0xf4: {  	_ =	swait.ge [sflag:s12], $0x50  }
0xf5: {  	[sflag:s12] =	ssyncset.done $0x0  }
0xf6: {  	[sflag:s12] =	ssyncadd.s32 $0xFFFFFFB0  }
0xf7: {  	_ =	swait.ge [sflag:s12], $0x50  }
0xf8: {  	[sflag:s12] =	ssyncset.done $0x0  }
0xf9: {  	[sflag:s12] =	ssyncadd.s32 $0xFFFFFFB0  }
0xfa: {  	_ =	swait.ge [sflag:s12], $0x50  }
0xfb: {  	[sflag:s12] =	ssyncset.done $0x0  }
0xfc: {  	[sflag:s12] =	ssyncadd.s32 $0xFFFFFFB0  }
0xfd: {  	_ =	swait.ge [sflag:s12], $0x50  }
0xfe: {  	[sflag:s12] =	ssyncset.done $0x0  }
0xff: {  	[sflag:s12] =	ssyncadd.s32 $0xFFFFFFB0  }
0x100: {  	_ =	swait.ge [sflag:s12], $0x50  }
0x101: {  	[sflag:s12] =	ssyncset.done $0x0  }
0x102: {  	[sflag:s12] =	ssyncadd.s32 $0xFFFFFFB0  }
0x103: {  	_ =	swait.ge [sflag:s12], $0x50  }
0x104: {  	[sflag:s12] =	ssyncset.done $0x0  }
0x105: {  	[sflag:s12] =	ssyncadd.s32 $0xFFFFFFB0  }
0x106: {  	_ =	swait.ge [sflag:s12], $0x50  }
0x107: {  	[sflag:s12] =	ssyncset.done $0x0  }
0x108: {  	[sflag:s12] =	ssyncadd.s32 $0xFFFFFFB0  }
0x109: {  	_ =	swait.ge [sflag:s12], $0x50  }
0x10a: {  	[sflag:s12] =	ssyncset.done $0x0  }
0x10b: {  	[sflag:s12] =	ssyncadd.s32 $0xFFFFFFB0  }
0x10c: {  	_ =	swait.ge [sflag:s12], $0x50  }
0x10d: {  	[sflag:s12] =	ssyncset.done $0x0  }
0x10e: {  	[sflag:s12] =	ssyncadd.s32 $0xFFFFFFB0  }
0x10f: {  	_ =	swait.ge [sflag:s12], $0x50  }
0x110: {  	[sflag:s12] =	ssyncset.done $0x0  }
0x111: {  	[sflag:s12] =	ssyncadd.s32 $0xFFFFFFB0  }
0x112: {  	_ =	swait.ge [sflag:s12], $0x50  }
0x113: {  	[sflag:s12] =	ssyncset.done $0x0  }
0x114: {  	[sflag:s12] =	ssyncadd.s32 $0xFFFFFFB0  }
0x115: {  	_ =	swait.ge [sflag:s12], $0x50  }
0x116: {  	[sflag:s12] =	ssyncset.done $0x0  }
0x117: {  	[sflag:s12] =	ssyncadd.s32 $0xFFFFFFB0  }
0x118: {  	_ =	swait.ge [sflag:s12], $0x50  }
0x119: {  	[sflag:s12] =	ssyncset.done $0x0  }
0x11a: {  	[sflag:s12] =	ssyncadd.s32 $0xFFFFFFB0  }
0x11b: {  	_ =	swait.ge [sflag:s12], $0x50  }
0x11c: {  	[sflag:s12] =	ssyncset.done $0x0  }
0x11d: {  	[sflag:s12] =	ssyncadd.s32 $0xFFFFFFB0  }
0x11e: {  	_ =	swait.ge [sflag:s12], $0x50  }
0x11f: {  	[sflag:s12] =	ssyncset.done $0x0  }
0x120: {  	[sflag:s12] =	ssyncadd.s32 $0xFFFFFFB0  }
0x121: {  	_ =	swait.ge [sflag:s12], $0x50  }
0x122: {  	[sflag:s12] =	ssyncset.done $0x0  }
0x123: {  	[sflag:s12] =	ssyncadd.s32 $0xFFFFFFB0  }
0x124: {  	_ =	swait.ge [sflag:s12], $0x50  }
0x125: {  	[sflag:s12] =	ssyncset.done $0x0  }
0x126: {  	[sflag:s12] =	ssyncadd.s32 $0xFFFFFFB0  }
0x127: {  	_ =	swait.ge [sflag:s12], $0x50  }
0x128: {  	[sflag:s12] =	ssyncset.done $0x0  }
0x129: {  	[sflag:s12] =	ssyncadd.s32 $0xFFFFFFB0  }
0x12a: {  	_ =	swait.ge [sflag:s12], $0x50  }
0x12b: {  	[sflag:s12] =	ssyncset.done $0x0  }
0x12c: {  	[sflag:s12] =	ssyncadd.s32 $0xFFFFFFB0  }
0x12d: {  	_ =	swait.ge [sflag:s12], $0x50  }
0x12e: {  	[sflag:s12] =	ssyncset.done $0x0  }
0x12f: {  	[sflag:s12] =	ssyncadd.s32 $0xFFFFFFB0  }
0x130: {  	_ =	swait.ge [sflag:s12], $0x50  }
0x131: {  	[sflag:s12] =	ssyncset.done $0x0  }
0x132: {  	[sflag:s12] =	ssyncadd.s32 $0xFFFFFFB0  }
0x133: {  	_ =	swait.ge [sflag:s12], $0x50  }
0x134: {  	[sflag:s12] =	ssyncset.done $0x0  }
0x135: {  	[sflag:s12] =	ssyncadd.s32 $0xFFFFFFB0  }
0x136: {  	_ =	swait.ge [sflag:s12], $0x50  }
0x137: {  	[sflag:s12] =	ssyncset.done $0x0  }
0x138: {  	[sflag:s12] =	ssyncadd.s32 $0xFFFFFFB0  }
.Ltmp0:
0x139: {  	_ =	swait.ge [sflag:s12], $0x50;
	(pc) =	sbr.rel @p0 .LBB2_2-.Ltmp0, $4  }
0x13a: {  	[sflag:s12] =	ssyncset.done $0x0  }
0x13b: {  	[sflag:s12] =	ssyncadd.s32 $0xFFFFFFB0  }
0x13c: {  	_ =	swait.ge [sflag:s12], $0x50  }
0x13d: {  	s21 =	smov.u32 s19;
	[sflag:s12] =	ssyncset.done $0x0  }
0x13e: {  	s18 =	sshra.s32 s18, $0x2;
	[sflag:s12] =	ssyncadd.s32 $0xFFFFFFB0  }
0x13f: {  	[spmem:s2] =	stream.indirect.scatter.add.f32 [tilespmem:s11], [sflag:$0x1], $0x1, s18, s10, $0xb8;
	[tilespmem:$0x4580] =	vst v63  }
0x140: {  	s19 =	sadd.s32 $0x80, s18  }
0x141: {  	[spmem:s2] =	stream.indirect.scatter.add.f32 [tilespmem:s11], [sflag:$0x1], $0x1, s19, s10, $0xb8;
	[tilespmem:$0x4580] =	vst v63  }
0x142: {  	s20 =	sadd.s32 $0x100, s18  }
0x143: {  	[spmem:s2] =	stream.indirect.scatter.add.f32 [tilespmem:s11], [sflag:$0x1], $0x1, s20, s10, $0xb8;
	[tilespmem:$0x4580] =	vst v63  }
0x144: {  	s21 =	sadd.s32 $0x180, s18  }
0x145: {  	[spmem:s2] =	stream.indirect.scatter.add.f32 [tilespmem:s11], [sflag:$0x1], $0x1, s21, s10, $0xb8;
	[tilespmem:$0x4580] =	vst v63  }
0x146: {  	s22 =	sadd.s32 $0x200, s18  }
0x147: {  	[spmem:s2] =	stream.indirect.scatter.add.f32 [tilespmem:s11], [sflag:$0x1], $0x1, s22, s10, $0xb8;
	[tilespmem:$0x4580] =	vst v63  }
0x148: {  	s23 =	sadd.s32 $0x280, s18  }
0x149: {  	[spmem:s2] =	stream.indirect.scatter.add.f32 [tilespmem:s11], [sflag:$0x1], $0x1, s23, s10, $0xb8;
	[tilespmem:$0x4580] =	vst v63  }
0x14a: {  	s24 =	sadd.s32 $0x300, s18  }
0x14b: {  	[spmem:s2] =	stream.indirect.scatter.add.f32 [tilespmem:s11], [sflag:$0x1], $0x1, s24, s10, $0xb8;
	[tilespmem:$0x4580] =	vst v63  }
0x14c: {  	s25 =	sadd.s32 $0x380, s18  }
0x14d: {  	[spmem:s2] =	stream.indirect.scatter.add.f32 [tilespmem:s11], [sflag:$0x1], $0x1, s25, s10, $0xb8;
	[tilespmem:$0x4580] =	vst v63  }
0x14e: {  	s26 =	sadd.s32 $0x400, s18  }
0x14f: {  	[spmem:s2] =	stream.indirect.scatter.add.f32 [tilespmem:s11], [sflag:$0x1], $0x1, s26, s10, $0xb8;
	[tilespmem:$0x4580] =	vst v63  }
0x150: {  	s28 =	sadd.s32 $0x480, s18  }
0x151: {  	[spmem:s2] =	stream.indirect.scatter.add.f32 [tilespmem:s11], [sflag:$0x1], $0x1, s28, s10, $0xb8;
	[tilespmem:$0x4580] =	vst v63  }
0x152: {  	s29 =	sadd.s32 $0x500, s18  }
0x153: {  	[spmem:s2] =	stream.indirect.scatter.add.f32 [tilespmem:s11], [sflag:$0x1], $0x1, s29, s10, $0xb8;
	[tilespmem:$0x4580] =	vst v63  }
0x154: {  	s30 =	sadd.s32 $0x580, s18  }
0x155: {  	[spmem:s2] =	stream.indirect.scatter.add.f32 [tilespmem:s11], [sflag:$0x1], $0x1, s30, s10, $0xb8;
	[tilespmem:$0x4580] =	vst v63  }
0x156: {  	s31 =	sadd.s32 $0x600, s18  }
0x157: {  	[spmem:s2] =	stream.indirect.scatter.add.f32 [tilespmem:s11], [sflag:$0x1], $0x1, s31, s10, $0xb8;
	[tilespmem:$0x4580] =	vst v63  }
0x158: {  	s20 =	sadd.s32 $0x680, s18  }
0x159: {  	[spmem:s2] =	stream.indirect.scatter.add.f32 [tilespmem:s11], [sflag:$0x1], $0x1, s20, s10, $0xb8;
	[tilespmem:$0x4580] =	vst v63  }
0x15a: {  	s21 =	sadd.s32 $0x700, s18  }
0x15b: {  	[spmem:s2] =	stream.indirect.scatter.add.f32 [tilespmem:s11], [sflag:$0x1], $0x1, s21, s10, $0xb8;
	[tilespmem:$0x4580] =	vst v63  }
0x15c: {  	s22 =	sadd.s32 $0x780, s18  }
0x15d: {  	[spmem:s2] =	stream.indirect.scatter.add.f32 [tilespmem:s11], [sflag:$0x1], $0x1, s22, s10, $0xb8;
	[tilespmem:$0x4580] =	vst v63  }
0x15e: {  	s23 =	sadd.s32 $0x800, s18  }
0x15f: {  	[spmem:s2] =	stream.indirect.scatter.add.f32 [tilespmem:s11], [sflag:$0x1], $0x1, s23, s10, $0xb8;
	[tilespmem:$0x4580] =	vst v63  }
0x160: {  	s24 =	sadd.s32 $0x880, s18  }
0x161: {  	[spmem:s2] =	stream.indirect.scatter.add.f32 [tilespmem:s11], [sflag:$0x1], $0x1, s24, s10, $0xb8;
	[tilespmem:$0x4580] =	vst v63  }
0x162: {  	s25 =	sadd.s32 $0x900, s18  }
0x163: {  	[spmem:s2] =	stream.indirect.scatter.add.f32 [tilespmem:s11], [sflag:$0x1], $0x1, s25, s10, $0xb8;
	[tilespmem:$0x4580] =	vst v63  }
0x164: {  	s26 =	sadd.s32 $0x980, s18  }
0x165: {  	[spmem:s2] =	stream.indirect.scatter.add.f32 [tilespmem:s11], [sflag:$0x1], $0x1, s26, s10, $0xb8;
	[tilespmem:$0x4580] =	vst v63  }
0x166: {  	s28 =	sadd.s32 $0xA00, s18  }
0x167: {  	[spmem:s2] =	stream.indirect.scatter.add.f32 [tilespmem:s11], [sflag:$0x1], $0x1, s28, s10, $0xb8;
	[tilespmem:$0x4580] =	vst v63  }
0x168: {  	s29 =	sadd.s32 $0xA80, s18  }
0x169: {  	[spmem:s2] =	stream.indirect.scatter.add.f32 [tilespmem:s11], [sflag:$0x1], $0x1, s29, s10, $0xb8;
	[tilespmem:$0x4580] =	vst v63  }
0x16a: {  	s30 =	sadd.s32 $0xB00, s18  }
0x16b: {  	[spmem:s2] =	stream.indirect.scatter.add.f32 [tilespmem:s11], [sflag:$0x1], $0x1, s30, s10, $0xb8;
	[tilespmem:$0x4580] =	vst v63  }
0x16c: {  	s31 =	sadd.s32 $0xB80, s18  }
0x16d: {  	[spmem:s2] =	stream.indirect.scatter.add.f32 [tilespmem:s11], [sflag:$0x1], $0x1, s31, s10, $0xb8;
	[tilespmem:$0x4580] =	vst v63  }
0x16e: {  	s18 =	sadd.s32 $0xC00, s18  }
0x16f: {  	[spmem:s2] =	stream.indirect.scatter.add.f32 [tilespmem:s11], [sflag:$0x1], $0x1, s18, s10, $0xb8;
	[tilespmem:$0x4580] =	vst v63  }
0x170: {  	_ =	swait.ge [sflag:s12], $0x50  }
0x171: {  	[sflag:s12] =	ssyncset.done $0x0  }
0x172: {  	[sflag:s12] =	ssyncadd.s32 $0xFFFFFFB0  }
0x173: {  	_ =	swait.ge [sflag:s12], $0x50  }
0x174: {  	[sflag:s12] =	ssyncset.done $0x0  }
0x175: {  	[sflag:s12] =	ssyncadd.s32 $0xFFFFFFB0  }
0x176: {  	_ =	swait.ge [sflag:s12], $0x50  }
0x177: {  	[sflag:s12] =	ssyncset.done $0x0  }
0x178: {  	[sflag:s12] =	ssyncadd.s32 $0xFFFFFFB0  }
0x179: {  	_ =	swait.ge [sflag:s12], $0x50  }
0x17a: {  	[sflag:s12] =	ssyncset.done $0x0  }
0x17b: {  	[sflag:s12] =	ssyncadd.s32 $0xFFFFFFB0  }
0x17c: {  	_ =	swait.ge [sflag:s12], $0x50  }
0x17d: {  	[sflag:s12] =	ssyncset.done $0x0  }
0x17e: {  	[sflag:s12] =	ssyncadd.s32 $0xFFFFFFB0  }
0x17f: {  	_ =	swait.ge [sflag:s12], $0x50  }
0x180: {  	[sflag:s12] =	ssyncset.done $0x0  }
0x181: {  	[sflag:s12] =	ssyncadd.s32 $0xFFFFFFB0  }
0x182: {  	_ =	swait.ge [sflag:s12], $0x50  }
0x183: {  	[sflag:s12] =	ssyncset.done $0x0  }
0x184: {  	[sflag:s12] =	ssyncadd.s32 $0xFFFFFFB0  }
0x185: {  	_ =	swait.ge [sflag:s12], $0x50  }
0x186: {  	[sflag:s12] =	ssyncset.done $0x0  }
0x187: {  	[sflag:s12] =	ssyncadd.s32 $0xFFFFFFB0  }
0x188: {  	_ =	swait.ge [sflag:s12], $0x50  }
0x189: {  	[sflag:s12] =	ssyncset.done $0x0  }
0x18a: {  	[sflag:s12] =	ssyncadd.s32 $0xFFFFFFB0  }
0x18b: {  	_ =	swait.ge [sflag:s12], $0x50  }
0x18c: {  	[sflag:s12] =	ssyncset.done $0x0  }
0x18d: {  	[sflag:s12] =	ssyncadd.s32 $0xFFFFFFB0  }
0x18e: {  	_ =	swait.ge [sflag:s12], $0x50  }
0x18f: {  	[sflag:s12] =	ssyncset.done $0x0  }
0x190: {  	[sflag:s12] =	ssyncadd.s32 $0xFFFFFFB0  }
0x191: {  	_ =	swait.ge [sflag:s12], $0x50  }
0x192: {  	[sflag:s12] =	ssyncset.done $0x0  }
0x193: {  	[sflag:s12] =	ssyncadd.s32 $0xFFFFFFB0  }
0x194: {  	_ =	swait.ge [sflag:s12], $0x50  }
0x195: {  	[sflag:s12] =	ssyncset.done $0x0  }
0x196: {  	[sflag:s12] =	ssyncadd.s32 $0xFFFFFFB0  }
0x197: {  	_ =	swait.ge [sflag:s12], $0x50  }
0x198: {  	[sflag:s12] =	ssyncset.done $0x0  }
0x199: {  	[sflag:s12] =	ssyncadd.s32 $0xFFFFFFB0  }
0x19a: {  	_ =	swait.ge [sflag:s12], $0x50  }
0x19b: {  	[sflag:s12] =	ssyncset.done $0x0  }
0x19c: {  	[sflag:s12] =	ssyncadd.s32 $0xFFFFFFB0  }
0x19d: {  	_ =	swait.ge [sflag:s12], $0x50  }
0x19e: {  	[sflag:s12] =	ssyncset.done $0x0  }
0x19f: {  	[sflag:s12] =	ssyncadd.s32 $0xFFFFFFB0  }
0x1a0: {  	_ =	swait.ge [sflag:s12], $0x50  }
0x1a1: {  	[sflag:s12] =	ssyncset.done $0x0  }
0x1a2: {  	[sflag:s12] =	ssyncadd.s32 $0xFFFFFFB0  }
0x1a3: {  	_ =	swait.ge [sflag:s12], $0x50  }
0x1a4: {  	[sflag:s12] =	ssyncset.done $0x0  }
0x1a5: {  	[sflag:s12] =	ssyncadd.s32 $0xFFFFFFB0  }
0x1a6: {  	_ =	swait.ge [sflag:s12], $0x50  }
0x1a7: {  	[sflag:s12] =	ssyncset.done $0x0  }
0x1a8: {  	[sflag:s12] =	ssyncadd.s32 $0xFFFFFFB0  }
0x1a9: {  	_ =	swait.ge [sflag:s12], $0x50  }
0x1aa: {  	[sflag:s12] =	ssyncset.done $0x0  }
0x1ab: {  	[sflag:s12] =	ssyncadd.s32 $0xFFFFFFB0  }
0x1ac: {  	_ =	swait.ge [sflag:s12], $0x50  }
0x1ad: {  	[sflag:s12] =	ssyncset.done $0x0  }
0x1ae: {  	[sflag:s12] =	ssyncadd.s32 $0xFFFFFFB0  }
0x1af: {  	_ =	swait.ge [sflag:s12], $0x50  }
0x1b0: {  	[sflag:s12] =	ssyncset.done $0x0  }
0x1b1: {  	[sflag:s12] =	ssyncadd.s32 $0xFFFFFFB0  }
0x1b2: {  	_ =	swait.ge [sflag:s12], $0x50  }
0x1b3: {  	[sflag:s12] =	ssyncset.done $0x0  }
0x1b4: {  	[sflag:s12] =	ssyncadd.s32 $0xFFFFFFB0  }
0x1b5: {  	_ =	swait.ge [sflag:s12], $0x50  }
0x1b6: {  	[sflag:s12] =	ssyncset.done $0x0  }
0x1b7: {  	[sflag:s12] =	ssyncadd.s32 $0xFFFFFFB0  }
0x1b8: {  	_ =	swait.ge [sflag:s12], $0x50  }
0x1b9: {  	s17 =	sadd.s32 $0x1, s17;
	[sflag:s12] =	ssyncset.done $0x0  }
0x1ba: {  	p0 =	sne.s32 s17, s7;
	[sflag:s12] =	ssyncadd.s32 $0xFFFFFFB0  }
.Ltmp1:
0x1bb: {  	[bflag:$0x0] =	sbarrier.arrive $0xFFFF;
	(pc) =	sbr.rel @p0 .LBB2_1-.Ltmp1, $4  }
0x1bc: {  	[hbm:s6@s15], [sflag:s13] =	dma.strided [spmem:s14@s16], $0x50, s12, $0x10   }
0x1bd: {  	_ =	swait.ge [sflag:s9], $0x50  }
0x1be: {  	[sflag:s9] =	ssyncset.done $0x0  }
0x1bf: {  	[sflag:s9] =	ssyncadd.s32 $0xFFFFFFB0  }
0x1c0: {  	_ =	sfence.sel $0x180000  }
0x1c1: {  	[bflag:$0x0] =	sbarrier.arrive $0xFFFF  }
0x1c2: {  	p0 =	sne.s32 s1, $0x0;
	_ =	strace $0x90000047  }
0x1c3: {  	s0 =	sadd.s32 @!p0 $0x100000, s0;
	[bflag:$0x2] =	sbarrier.arrive $0xFFFF  }
0x1c4: {  	[sflag:s0] =	ssyncadd.tile.s32 @!p0 $0x1;
	_ =	shalt  }
.Lfunc_end2:
_tile_overlayer_lowered:
.L_overlay_start_2:
0x1c5: {  	(tag) =	ssettag $0x2  }
0x1c6: {  	s0 =	rddreg [dreg:$0x0];
	s2 =	stileid.u32  }
0x1c7: {  	s1 =	rddreg [dreg:$0x1];
	p0 =	sne.s32 s2, $0x0  }
0x1c8: {  	s3 =	rddreg [dreg:$0x2];
	[bflag:$0x3] =	sbarrier.arrive $0xFFFF;
	s2 =	simm.s32 @!p0 $0x1C02  }
0x1c9: {  	[timem:s3], [sflag:s2] =	dma.local @!p0 [hbm:s0], s1  }
0x1ca: {  	s0 =	simm.s32 @!p0 $0x2  }
0x1cb: {  	_ =	swait.ge @!p0 [sflag:s0], s1  }
0x1cc: {  	s1 =	ssub.s32 @!p0 $0x0, s1;
	[sflag:s0] =	ssyncset.done @!p0 $0x0  }
0x1cd: {  	[sflag:s0] =	ssyncadd.s32 @!p0 s1  }
0x1ce: {  	[bflag:$0x3] =	sbarrier.arrive $0xFFFF  }
0x1cf: {  	_ =	shalt  }

</sc_bundles>
